<compile_context>
chip_gen: v7x
topology: tpu7x:2x2x1
jax: 0.10.2.dev20260603
libtpu: 0.0.44.dev20260713+nightly
codegen_flags: <defaults>
</compile_context>

<pallas_src>
import functools
import math

import jax
import jax.numpy as jnp
from jax import lax
from jax.experimental import pallas as pl
from jax.experimental.pallas import tpu as pltpu
from jax.experimental.pallas import tpu_sc as plsc

K = 8192
D = 256
NTOK = 32 * 1024
BM = 512
GRID_M = NTOK // BM
COMMIT = 0.25

NC, NS = 2, 16
NW = NC * NS
TOK_PER_W = NTOK // NW
CHUNK = 128
NCHUNK = TOK_PER_W // CHUNK


def _codebook_body(lb_ref, w_ref, cb_ref, cb2_ref, cbn_ref):
    lb = lb_ref[...]
    w = w_ref[...]
    cb = lax.dot_general(lb, w, (((1,), (1,)), ((), ())),
                         preferred_element_type=jnp.float32)
    n2 = jnp.sum(cb * cb, axis=1, keepdims=True)
    norm = jnp.sqrt(n2)
    cb = cb / jnp.clip(norm, 1e-12) * math.sqrt(D)
    cb_ref[...] = cb
    cb2_ref[...] = cb + cb
    cbn_ref[...] = jnp.sum(cb * cb, axis=1, keepdims=True)


def _make_codebook(latent_basis, W):
    return pl.pallas_call(
        _codebook_body,
        out_shape=[
            jax.ShapeDtypeStruct((K, D), jnp.float32),
            jax.ShapeDtypeStruct((K, D), jnp.float32),
            jax.ShapeDtypeStruct((K, 1), jnp.float32),
        ],
    )(latent_basis, W)


def _argmin_body(z_ref, cb2_ref, cbn_ref, idx_ref, loss_ref):
    z = z_ref[...]
    mm2 = lax.dot_general(z, cb2_ref[...], (((1,), (1,)), ((), ())),
                          preferred_element_type=jnp.float32)
    zn = jnp.sum(z * z, axis=1, keepdims=True)
    e = (zn - mm2) + cbn_ref[...]
    emin = jnp.min(e, axis=1, keepdims=True)
    idx_ref[...] = jnp.argmin(e, axis=1).astype(jnp.int32)

    s = jnp.sum(emin)
    loss_ref[...] = jnp.broadcast_to(s, (128,))


def _argmin_distances(z_flat, cb2, cbn_row):
    return pl.pallas_call(
        _argmin_body,
        grid=(GRID_M,),
        in_specs=[
            pl.BlockSpec((BM, D), lambda i: (i, 0)),
            pl.BlockSpec((K, D), lambda i: (0, 0)),
            pl.BlockSpec((1, K), lambda i: (0, 0)),
        ],
        out_specs=[
            pl.BlockSpec((BM,), lambda i: (i,)),
            pl.BlockSpec((128,), lambda i: (i,)),
        ],
        out_shape=[
            jax.ShapeDtypeStruct((NTOK,), jnp.int32),
            jax.ShapeDtypeStruct((GRID_M * 128,), jnp.float32),
        ],
        compiler_params=pltpu.CompilerParams(
            dimension_semantics=("parallel",)),
    )(z_flat, cb2, cbn_row)


def _sc_gather_body(cb_hbm, idx_hbm, zeros_hbm, ones_hbm,
                    zq_hbm, counts_hbm,
                    idx_v, rows_a, rows_b, ones_v, hist_v, hist_sh,
                    sem_a, sem_b):
    cid = lax.axis_index("c")
    sid = lax.axis_index("s")
    wid = cid * NS + sid
    base = wid * TOK_PER_W

    for j in range(NCHUNK):
        pltpu.sync_copy(idx_hbm.at[pl.ds(base + j * CHUNK, CHUNK)],
                        idx_v.at[j])
    pltpu.sync_copy(ones_hbm, ones_v)

    @pl.when(sid == 0)
    def _():
        pltpu.sync_copy(zeros_hbm, hist_sh)
    plsc.subcore_barrier()

    for j in range(NCHUNK):
        pltpu.sync_copy(ones_v, hist_sh.at[idx_v.at[j]], add=True)

    bufs = (rows_a, rows_b)
    sems = (sem_a, sem_b)
    handles = [None, None]
    handles[0] = pltpu.async_copy(cb_hbm.at[idx_v.at[0]], bufs[0], sems[0])
    for j in range(NCHUNK):
        if j + 1 < NCHUNK:
            handles[(j + 1) % 2] = pltpu.async_copy(
                cb_hbm.at[idx_v.at[j + 1]], bufs[(j + 1) % 2],
                sems[(j + 1) % 2])
        handles[j % 2].wait()
        pltpu.sync_copy(bufs[j % 2],
                        zq_hbm.at[pl.ds(base + j * CHUNK, CHUNK)])

    plsc.subcore_barrier()

    @pl.when(sid == 0)
    def _():
        pltpu.sync_copy(hist_sh, hist_v)
        pltpu.sync_copy(hist_v, counts_hbm.at[cid])


def _sc_gather(codebook, indices_flat, zeros_i32, ones_i32):
    mesh = plsc.VectorSubcoreMesh(core_axis_name="c", subcore_axis_name="s")
    kfn = pl.kernel(
        _sc_gather_body,
        out_type=[
            jax.ShapeDtypeStruct((NTOK, D), jnp.float32),
            jax.ShapeDtypeStruct((NC, K), jnp.int32),
        ],
        mesh=mesh,
        scratch_types=[
            pltpu.VMEM((NCHUNK, CHUNK), jnp.int32),
            pltpu.VMEM((CHUNK, D), jnp.float32),
            pltpu.VMEM((CHUNK, D), jnp.float32),
            pltpu.VMEM((CHUNK,), jnp.int32),
            pltpu.VMEM((K,), jnp.int32),
            pltpu.VMEM_SHARED((K,), jnp.int32),
            pltpu.SemaphoreType.DMA,
            pltpu.SemaphoreType.DMA,
        ],
    )
    return kfn(codebook, indices_flat, zeros_i32, ones_i32)


def _finalize_body(counts_ref, losssum_ref, loss_ref, perp_ref, usage_ref):
    c = counts_ref[...]
    total = c[0:1, :] + c[1:2, :]
    avg = total.astype(jnp.float32) / float(NTOK)
    ent = jnp.sum(avg * jnp.log(avg + 1e-10), keepdims=True).reshape(1, 1)
    perp_ref[...] = jnp.exp(-ent)
    used = jnp.sum((total > 0).astype(jnp.float32), keepdims=True)
    usage_ref[...] = used.reshape(1, 1) / float(K)
    mse = jnp.sum(losssum_ref[:, 0:1], keepdims=True).reshape(1, 1) / float(NTOK * D)
    loss_ref[...] = mse + COMMIT * mse


def _finalize(counts, loss_sum):
    return pl.pallas_call(
        _finalize_body,
        out_shape=[
            jax.ShapeDtypeStruct((1, 1), jnp.float32),
            jax.ShapeDtypeStruct((1, 1), jnp.float32),
            jax.ShapeDtypeStruct((1, 1), jnp.float32),
        ],
    )(counts, loss_sum)


@jax.jit
def kernel(z_e, latent_basis, W):
    Bb, Tt, Dd = z_e.shape
    z_flat = z_e.reshape(-1, Dd)

    codebook, cb2, cbn_col = _make_codebook(latent_basis, W)
    cbn_row = cbn_col.reshape(1, K)
    indices_flat, loss_sum = _argmin_distances(z_flat, cb2, cbn_row)

    zeros_i32 = jnp.zeros((K,), jnp.int32)
    ones_i32 = jnp.ones((CHUNK,), jnp.int32)
    z_q_flat, counts = _sc_gather(codebook, indices_flat, zeros_i32, ones_i32)

    vq_loss, perplexity, usage = _finalize(counts, loss_sum.reshape(GRID_M, 128))

    z_q = z_q_flat.reshape(Bb, Tt, Dd)
    indices = indices_flat.reshape(Bb, Tt)
    return (z_q, vq_loss[0, 0], indices, perplexity[0, 0], usage[0, 0])

# --- scband reference (transcript-rebuilt; emitter-appended) ---
"""Pipeline reference for scband-improved-sim-vqquantizer-87651692577319 (READ-ONLY COPY).

The authoritative reference and input builder live on the scoring server;
editing this copy changes nothing except your own understanding.
"""

import jax, jax.numpy as jnp
import numpy as np
import math

NUM_EMBEDDINGS = 8192
EMBEDDING_DIM = 256
COMMITMENT_COST = 0.25
B, T = 32, 1024


def setup_inputs(seed: int = 0) -> dict:
    key = jax.random.key(seed)
    k1, k2, k3 = jax.random.split(key, 3)
    z_e = jax.random.normal(k1, (B, T, EMBEDDING_DIM), dtype=jnp.float32)
    scale = 1.0 / math.sqrt(NUM_EMBEDDINGS)
    latent_basis = jax.random.normal(k2, (NUM_EMBEDDINGS, EMBEDDING_DIM), dtype=jnp.float32) * scale
    # xavier_uniform with gain=0.1 for square weight [D, D]
    limit = 0.1 * math.sqrt(6.0 / (EMBEDDING_DIM + EMBEDDING_DIM))
    W = jax.random.uniform(k3, (EMBEDDING_DIM, EMBEDDING_DIM), minval=-limit, maxval=limit, dtype=jnp.float32)
    return {"z_e": z_e, "latent_basis": latent_basis, "W": W}


def _get_codebook(latent_basis, W):
    # torch Linear(bias=False): y = x @ W.T
    codebook = latent_basis @ W.T
    norm = jnp.linalg.norm(codebook, axis=-1, keepdims=True)
    codebook = codebook / jnp.clip(norm, 1e-12)
    codebook = codebook * math.sqrt(EMBEDDING_DIM)
    return codebook


def reference(z_e, latent_basis, W):
    Bb, Tt, D = z_e.shape
    z_e_flat = z_e.reshape(-1, D)
    codebook = _get_codebook(latent_basis, W)
    distances = (z_e_flat ** 2).sum(axis=1, keepdims=True) - 2.0 * (z_e_flat @ codebook.T) + (codebook ** 2).sum(axis=1)[None, :]
    indices_flat = jnp.argmin(distances, axis=1)
    z_q_flat = jnp.take(codebook, indices_flat, axis=0)
    z_q = z_q_flat.reshape(Bb, Tt, D)
    indices = indices_flat.reshape(Bb, Tt)
    # eval mode: no EMA update
    codebook_loss = jnp.mean((jax.lax.stop_gradient(z_q) - z_e) ** 2)
    commitment_loss = jnp.mean((z_e - jax.lax.stop_gradient(z_q)) ** 2)
    vq_loss = codebook_loss + COMMITMENT_COST * commitment_loss
    z_q_ste = z_e + jax.lax.stop_gradient(z_q - z_e)
    # avg_probs over one-hot encodings == normalized bincount (same math, no giant one-hot)
    counts = jnp.bincount(indices_flat, length=NUM_EMBEDDINGS)
    avg_probs = counts.astype(jnp.float32) / (Bb * Tt)
    perplexity = jnp.exp(-jnp.sum(avg_probs * jnp.log(avg_probs + 1e-10)))
    used_codes = (counts > 0).sum()
    codebook_usage = used_codes.astype(jnp.float32) / NUM_EMBEDDINGS
    return (z_q_ste, vq_loss, indices, perplexity, codebook_usage)

if __name__ == "__main__":
    import jax
    _d = setup_inputs()
    print(jax.jit(kernel)(*tuple(_d.values())))

</pallas_src>

<mosaic_0001>
#map = affine_map<(d0, d1) -> (0, 0)>
#map1 = affine_map<(d0, d1) -> (0)>
module attributes {stable_mosaic.version = 14 : i64} {
  func.func @_sc_gather_body(%arg0: i32, %arg1: i32, %arg2: memref<8192x256xf32, #tpu.memory_space<hbm>>, %arg3: memref<32768xi32, #tpu.memory_space<hbm>>, %arg4: memref<8192xi32, #tpu.memory_space<hbm>>, %arg5: memref<128xi32, #tpu.memory_space<hbm>>, %arg6: memref<32768x256xf32, #tpu.memory_space<hbm>>, %arg7: memref<2x8192xi32, #tpu.memory_space<hbm>>, %arg8: memref<8x128xi32, #tpu.memory_space<vmem>>, %arg9: memref<128x256xf32, #tpu.memory_space<vmem>>, %arg10: memref<128x256xf32, #tpu.memory_space<vmem>>, %arg11: memref<128xi32, #tpu.memory_space<vmem>>, %arg12: memref<8192xi32, #tpu.memory_space<vmem>>, %arg13: memref<8192xi32, #tpu.memory_space<vmem_shared>>, %arg14: memref<!tpu.dma_semaphore, #tpu.memory_space<semaphore_mem>>, %arg15: memref<!tpu.dma_semaphore, #tpu.memory_space<semaphore_mem>>) attributes {dimension_semantics = [#tpu.dimension_semantics<core_parallel>, #tpu.dimension_semantics<subcore_parallel>], iteration_bounds = array<i64: 2, 16>, scalar_prefetch = 0 : i64, scratch_operands = 8 : i64, tpu.core_type = #tpu.core_type<sc_vector_subcore>, window_params = [{transform_indices = #map}, {transform_indices = #map1}, {transform_indices = #map1}, {transform_indices = #map1}, {transform_indices = #map}, {transform_indices = #map}]} {
    %mul3A = arith.constant 16 : i32
    %mul3A_0 = arith.muli %arg0, %mul3A : i32
    %add3A = arith.addi %mul3A_0, %arg1 : i32
    %mul3A_1 = arith.constant 1024 : i32
    %mul3A_2 = arith.muli %add3A, %mul3A_1 : i32
    %add3A_3 = arith.constant 0 : i32
    %add3A_4 = arith.addi %mul3A_2, %add3A_3 : i32
    %run_scoped3A = arith.constant 0 : i32
    "tpu.region"() ({
      %run_scoped3A_168 = tpu.sem_alloc : memref<!tpu.dma_semaphore, #tpu.memory_space<semaphore_mem>>
      %dma_start3A_169 = arith.constant 0 : i32
      %dma_start3A_170 = tpu.memref_slice %arg8[%run_scoped3A, %dma_start3A_169] : memref<8x128xi32, #tpu.memory_space<vmem>> -> memref<1x128xi32, #tpu.memory_space<vmem>>
      %dma_start3A_171 = tpu.memref_squeeze %dma_start3A_170 : memref<1x128xi32, #tpu.memory_space<vmem>> -> memref<128xi32, #tpu.memory_space<vmem>>
      %dma_start3A_172 = tpu.memref_slice %arg3[%add3A_4] : memref<32768xi32, #tpu.memory_space<hbm>> -> memref<128xi32, #tpu.memory_space<hbm>>
      %dma_start3A_173 = arith.constant 0 : i32
      %dma_start3A_174 = tpu.memref_slice %arg8[%run_scoped3A, %dma_start3A_173] : memref<8x128xi32, #tpu.memory_space<vmem>> -> memref<1x128xi32, #tpu.memory_space<vmem>>
      %dma_start3A_175 = tpu.memref_squeeze %dma_start3A_174 : memref<1x128xi32, #tpu.memory_space<vmem>> -> memref<128xi32, #tpu.memory_space<vmem>>
      %dma_start3A_176 = tpu.memref_slice %arg3[%add3A_4] : memref<32768xi32, #tpu.memory_space<hbm>> -> memref<128xi32, #tpu.memory_space<hbm>>
      tpu.enqueue_dma source(%dma_start3A_176 : memref<128xi32, #tpu.memory_space<hbm>>) target(%dma_start3A_175 : memref<128xi32, #tpu.memory_space<vmem>>) target_semaphore(%run_scoped3A_168 : memref<!tpu.dma_semaphore, #tpu.memory_space<semaphore_mem>>)
      %dma_wait3A_177 = arith.constant 0 : i32
      %dma_wait3A_178 = tpu.memref_slice %arg8[%run_scoped3A, %dma_wait3A_177] : memref<8x128xi32, #tpu.memory_space<vmem>> -> memref<1x128xi32, #tpu.memory_space<vmem>>
      %dma_wait3A_179 = tpu.memref_squeeze %dma_wait3A_178 : memref<1x128xi32, #tpu.memory_space<vmem>> -> memref<128xi32, #tpu.memory_space<vmem>>
      %dma_wait3A_180 = tpu.memref_slice %arg3[%add3A_4] : memref<32768xi32, #tpu.memory_space<hbm>> -> memref<128xi32, #tpu.memory_space<hbm>>
      %dma_wait3A_181 = arith.constant 0 : i32
      %dma_wait3A_182 = tpu.memref_slice %arg8[%run_scoped3A, %dma_wait3A_181] : memref<8x128xi32, #tpu.memory_space<vmem>> -> memref<1x128xi32, #tpu.memory_space<vmem>>
      %dma_wait3A_183 = tpu.memref_squeeze %dma_wait3A_182 : memref<1x128xi32, #tpu.memory_space<vmem>> -> memref<128xi32, #tpu.memory_space<vmem>>
      %dma_wait3A_184 = tpu.memref_slice %arg3[%add3A_4] : memref<32768xi32, #tpu.memory_space<hbm>> -> memref<128xi32, #tpu.memory_space<hbm>>
      tpu.wait_dma2 semaphore(%run_scoped3A_168 : memref<!tpu.dma_semaphore, #tpu.memory_space<semaphore_mem>>) src(%dma_wait3A_184 : memref<128xi32, #tpu.memory_space<hbm>>) dst(%dma_wait3A_183 : memref<128xi32, #tpu.memory_space<vmem>>)
      tpu.yield
    }) : () -> ()
    %add3A_5 = arith.constant 128 : i32
    %add3A_6 = arith.addi %mul3A_2, %add3A_5 : i32
    %run_scoped3A_7 = arith.constant 1 : i32
    "tpu.region"() ({
      %run_scoped3A_168 = tpu.sem_alloc : memref<!tpu.dma_semaphore, #tpu.memory_space<semaphore_mem>>
      %dma_start3A_169 = arith.constant 0 : i32
      %dma_start3A_170 = tpu.memref_slice %arg8[%run_scoped3A_7, %dma_start3A_169] : memref<8x128xi32, #tpu.memory_space<vmem>> -> memref<1x128xi32, #tpu.memory_space<vmem>>
      %dma_start3A_171 = tpu.memref_squeeze %dma_start3A_170 : memref<1x128xi32, #tpu.memory_space<vmem>> -> memref<128xi32, #tpu.memory_space<vmem>>
      %dma_start3A_172 = tpu.memref_slice %arg3[%add3A_6] : memref<32768xi32, #tpu.memory_space<hbm>> -> memref<128xi32, #tpu.memory_space<hbm>>
      %dma_start3A_173 = arith.constant 0 : i32
      %dma_start3A_174 = tpu.memref_slice %arg8[%run_scoped3A_7, %dma_start3A_173] : memref<8x128xi32, #tpu.memory_space<vmem>> -> memref<1x128xi32, #tpu.memory_space<vmem>>
      %dma_start3A_175 = tpu.memref_squeeze %dma_start3A_174 : memref<1x128xi32, #tpu.memory_space<vmem>> -> memref<128xi32, #tpu.memory_space<vmem>>
      %dma_start3A_176 = tpu.memref_slice %arg3[%add3A_6] : memref<32768xi32, #tpu.memory_space<hbm>> -> memref<128xi32, #tpu.memory_space<hbm>>
      tpu.enqueue_dma source(%dma_start3A_176 : memref<128xi32, #tpu.memory_space<hbm>>) target(%dma_start3A_175 : memref<128xi32, #tpu.memory_space<vmem>>) target_semaphore(%run_scoped3A_168 : memref<!tpu.dma_semaphore, #tpu.memory_space<semaphore_mem>>)
      %dma_wait3A_177 = arith.constant 0 : i32
      %dma_wait3A_178 = tpu.memref_slice %arg8[%run_scoped3A_7, %dma_wait3A_177] : memref<8x128xi32, #tpu.memory_space<vmem>> -> memref<1x128xi32, #tpu.memory_space<vmem>>
      %dma_wait3A_179 = tpu.memref_squeeze %dma_wait3A_178 : memref<1x128xi32, #tpu.memory_space<vmem>> -> memref<128xi32, #tpu.memory_space<vmem>>
      %dma_wait3A_180 = tpu.memref_slice %arg3[%add3A_6] : memref<32768xi32, #tpu.memory_space<hbm>> -> memref<128xi32, #tpu.memory_space<hbm>>
      %dma_wait3A_181 = arith.constant 0 : i32
      %dma_wait3A_182 = tpu.memref_slice %arg8[%run_scoped3A_7, %dma_wait3A_181] : memref<8x128xi32, #tpu.memory_space<vmem>> -> memref<1x128xi32, #tpu.memory_space<vmem>>
      %dma_wait3A_183 = tpu.memref_squeeze %dma_wait3A_182 : memref<1x128xi32, #tpu.memory_space<vmem>> -> memref<128xi32, #tpu.memory_space<vmem>>
      %dma_wait3A_184 = tpu.memref_slice %arg3[%add3A_6] : memref<32768xi32, #tpu.memory_space<hbm>> -> memref<128xi32, #tpu.memory_space<hbm>>
      tpu.wait_dma2 semaphore(%run_scoped3A_168 : memref<!tpu.dma_semaphore, #tpu.memory_space<semaphore_mem>>) src(%dma_wait3A_184 : memref<128xi32, #tpu.memory_space<hbm>>) dst(%dma_wait3A_183 : memref<128xi32, #tpu.memory_space<vmem>>)
      tpu.yield
    }) : () -> ()
    %add3A_8 = arith.constant 256 : i32
    %add3A_9 = arith.addi %mul3A_2, %add3A_8 : i32
    %run_scoped3A_10 = arith.constant 2 : i32
    "tpu.region"() ({
      %run_scoped3A_168 = tpu.sem_alloc : memref<!tpu.dma_semaphore, #tpu.memory_space<semaphore_mem>>
      %dma_start3A_169 = arith.constant 0 : i32
      %dma_start3A_170 = tpu.memref_slice %arg8[%run_scoped3A_10, %dma_start3A_169] : memref<8x128xi32, #tpu.memory_space<vmem>> -> memref<1x128xi32, #tpu.memory_space<vmem>>
      %dma_start3A_171 = tpu.memref_squeeze %dma_start3A_170 : memref<1x128xi32, #tpu.memory_space<vmem>> -> memref<128xi32, #tpu.memory_space<vmem>>
      %dma_start3A_172 = tpu.memref_slice %arg3[%add3A_9] : memref<32768xi32, #tpu.memory_space<hbm>> -> memref<128xi32, #tpu.memory_space<hbm>>
      %dma_start3A_173 = arith.constant 0 : i32
      %dma_start3A_174 = tpu.memref_slice %arg8[%run_scoped3A_10, %dma_start3A_173] : memref<8x128xi32, #tpu.memory_space<vmem>> -> memref<1x128xi32, #tpu.memory_space<vmem>>
      %dma_start3A_175 = tpu.memref_squeeze %dma_start3A_174 : memref<1x128xi32, #tpu.memory_space<vmem>> -> memref<128xi32, #tpu.memory_space<vmem>>
      %dma_start3A_176 = tpu.memref_slice %arg3[%add3A_9] : memref<32768xi32, #tpu.memory_space<hbm>> -> memref<128xi32, #tpu.memory_space<hbm>>
      tpu.enqueue_dma source(%dma_start3A_176 : memref<128xi32, #tpu.memory_space<hbm>>) target(%dma_start3A_175 : memref<128xi32, #tpu.memory_space<vmem>>) target_semaphore(%run_scoped3A_168 : memref<!tpu.dma_semaphore, #tpu.memory_space<semaphore_mem>>)
      %dma_wait3A_177 = arith.constant 0 : i32
      %dma_wait3A_178 = tpu.memref_slice %arg8[%run_scoped3A_10, %dma_wait3A_177] : memref<8x128xi32, #tpu.memory_space<vmem>> -> memref<1x128xi32, #tpu.memory_space<vmem>>
      %dma_wait3A_179 = tpu.memref_squeeze %dma_wait3A_178 : memref<1x128xi32, #tpu.memory_space<vmem>> -> memref<128xi32, #tpu.memory_space<vmem>>
      %dma_wait3A_180 = tpu.memref_slice %arg3[%add3A_9] : memref<32768xi32, #tpu.memory_space<hbm>> -> memref<128xi32, #tpu.memory_space<hbm>>
      %dma_wait3A_181 = arith.constant 0 : i32
      %dma_wait3A_182 = tpu.memref_slice %arg8[%run_scoped3A_10, %dma_wait3A_181] : memref<8x128xi32, #tpu.memory_space<vmem>> -> memref<1x128xi32, #tpu.memory_space<vmem>>
      %dma_wait3A_183 = tpu.memref_squeeze %dma_wait3A_182 : memref<1x128xi32, #tpu.memory_space<vmem>> -> memref<128xi32, #tpu.memory_space<vmem>>
      %dma_wait3A_184 = tpu.memref_slice %arg3[%add3A_9] : memref<32768xi32, #tpu.memory_space<hbm>> -> memref<128xi32, #tpu.memory_space<hbm>>
      tpu.wait_dma2 semaphore(%run_scoped3A_168 : memref<!tpu.dma_semaphore, #tpu.memory_space<semaphore_mem>>) src(%dma_wait3A_184 : memref<128xi32, #tpu.memory_space<hbm>>) dst(%dma_wait3A_183 : memref<128xi32, #tpu.memory_space<vmem>>)
      tpu.yield
    }) : () -> ()
    %add3A_11 = arith.constant 384 : i32
    %add3A_12 = arith.addi %mul3A_2, %add3A_11 : i32
    %run_scoped3A_13 = arith.constant 3 : i32
    "tpu.region"() ({
      %run_scoped3A_168 = tpu.sem_alloc : memref<!tpu.dma_semaphore, #tpu.memory_space<semaphore_mem>>
      %dma_start3A_169 = arith.constant 0 : i32
      %dma_start3A_170 = tpu.memref_slice %arg8[%run_scoped3A_13, %dma_start3A_169] : memref<8x128xi32, #tpu.memory_space<vmem>> -> memref<1x128xi32, #tpu.memory_space<vmem>>
      %dma_start3A_171 = tpu.memref_squeeze %dma_start3A_170 : memref<1x128xi32, #tpu.memory_space<vmem>> -> memref<128xi32, #tpu.memory_space<vmem>>
      %dma_start3A_172 = tpu.memref_slice %arg3[%add3A_12] : memref<32768xi32, #tpu.memory_space<hbm>> -> memref<128xi32, #tpu.memory_space<hbm>>
      %dma_start3A_173 = arith.constant 0 : i32
      %dma_start3A_174 = tpu.memref_slice %arg8[%run_scoped3A_13, %dma_start3A_173] : memref<8x128xi32, #tpu.memory_space<vmem>> -> memref<1x128xi32, #tpu.memory_space<vmem>>
      %dma_start3A_175 = tpu.memref_squeeze %dma_start3A_174 : memref<1x128xi32, #tpu.memory_space<vmem>> -> memref<128xi32, #tpu.memory_space<vmem>>
      %dma_start3A_176 = tpu.memref_slice %arg3[%add3A_12] : memref<32768xi32, #tpu.memory_space<hbm>> -> memref<128xi32, #tpu.memory_space<hbm>>
      tpu.enqueue_dma source(%dma_start3A_176 : memref<128xi32, #tpu.memory_space<hbm>>) target(%dma_start3A_175 : memref<128xi32, #tpu.memory_space<vmem>>) target_semaphore(%run_scoped3A_168 : memref<!tpu.dma_semaphore, #tpu.memory_space<semaphore_mem>>)
      %dma_wait3A_177 = arith.constant 0 : i32
      %dma_wait3A_178 = tpu.memref_slice %arg8[%run_scoped3A_13, %dma_wait3A_177] : memref<8x128xi32, #tpu.memory_space<vmem>> -> memref<1x128xi32, #tpu.memory_space<vmem>>
      %dma_wait3A_179 = tpu.memref_squeeze %dma_wait3A_178 : memref<1x128xi32, #tpu.memory_space<vmem>> -> memref<128xi32, #tpu.memory_space<vmem>>
      %dma_wait3A_180 = tpu.memref_slice %arg3[%add3A_12] : memref<32768xi32, #tpu.memory_space<hbm>> -> memref<128xi32, #tpu.memory_space<hbm>>
      %dma_wait3A_181 = arith.constant 0 : i32
      %dma_wait3A_182 = tpu.memref_slice %arg8[%run_scoped3A_13, %dma_wait3A_181] : memref<8x128xi32, #tpu.memory_space<vmem>> -> memref<1x128xi32, #tpu.memory_space<vmem>>
      %dma_wait3A_183 = tpu.memref_squeeze %dma_wait3A_182 : memref<1x128xi32, #tpu.memory_space<vmem>> -> memref<128xi32, #tpu.memory_space<vmem>>
      %dma_wait3A_184 = tpu.memref_slice %arg3[%add3A_12] : memref<32768xi32, #tpu.memory_space<hbm>> -> memref<128xi32, #tpu.memory_space<hbm>>
      tpu.wait_dma2 semaphore(%run_scoped3A_168 : memref<!tpu.dma_semaphore, #tpu.memory_space<semaphore_mem>>) src(%dma_wait3A_184 : memref<128xi32, #tpu.memory_space<hbm>>) dst(%dma_wait3A_183 : memref<128xi32, #tpu.memory_space<vmem>>)
      tpu.yield
    }) : () -> ()
    %add3A_14 = arith.constant 512 : i32
    %add3A_15 = arith.addi %mul3A_2, %add3A_14 : i32
    %run_scoped3A_16 = arith.constant 4 : i32
    "tpu.region"() ({
      %run_scoped3A_168 = tpu.sem_alloc : memref<!tpu.dma_semaphore, #tpu.memory_space<semaphore_mem>>
      %dma_start3A_169 = arith.constant 0 : i32
      %dma_start3A_170 = tpu.memref_slice %arg8[%run_scoped3A_16, %dma_start3A_169] : memref<8x128xi32, #tpu.memory_space<vmem>> -> memref<1x128xi32, #tpu.memory_space<vmem>>
      %dma_start3A_171 = tpu.memref_squeeze %dma_start3A_170 : memref<1x128xi32, #tpu.memory_space<vmem>> -> memref<128xi32, #tpu.memory_space<vmem>>
      %dma_start3A_172 = tpu.memref_slice %arg3[%add3A_15] : memref<32768xi32, #tpu.memory_space<hbm>> -> memref<128xi32, #tpu.memory_space<hbm>>
      %dma_start3A_173 = arith.constant 0 : i32
      %dma_start3A_174 = tpu.memref_slice %arg8[%run_scoped3A_16, %dma_start3A_173] : memref<8x128xi32, #tpu.memory_space<vmem>> -> memref<1x128xi32, #tpu.memory_space<vmem>>
      %dma_start3A_175 = tpu.memref_squeeze %dma_start3A_174 : memref<1x128xi32, #tpu.memory_space<vmem>> -> memref<128xi32, #tpu.memory_space<vmem>>
      %dma_start3A_176 = tpu.memref_slice %arg3[%add3A_15] : memref<32768xi32, #tpu.memory_space<hbm>> -> memref<128xi32, #tpu.memory_space<hbm>>
      tpu.enqueue_dma source(%dma_start3A_176 : memref<128xi32, #tpu.memory_space<hbm>>) target(%dma_start3A_175 : memref<128xi32, #tpu.memory_space<vmem>>) target_semaphore(%run_scoped3A_168 : memref<!tpu.dma_semaphore, #tpu.memory_space<semaphore_mem>>)
      %dma_wait3A_177 = arith.constant 0 : i32
      %dma_wait3A_178 = tpu.memref_slice %arg8[%run_scoped3A_16, %dma_wait3A_177] : memref<8x128xi32, #tpu.memory_space<vmem>> -> memref<1x128xi32, #tpu.memory_space<vmem>>
      %dma_wait3A_179 = tpu.memref_squeeze %dma_wait3A_178 : memref<1x128xi32, #tpu.memory_space<vmem>> -> memref<128xi32, #tpu.memory_space<vmem>>
      %dma_wait3A_180 = tpu.memref_slice %arg3[%add3A_15] : memref<32768xi32, #tpu.memory_space<hbm>> -> memref<128xi32, #tpu.memory_space<hbm>>
      %dma_wait3A_181 = arith.constant 0 : i32
      %dma_wait3A_182 = tpu.memref_slice %arg8[%run_scoped3A_16, %dma_wait3A_181] : memref<8x128xi32, #tpu.memory_space<vmem>> -> memref<1x128xi32, #tpu.memory_space<vmem>>
      %dma_wait3A_183 = tpu.memref_squeeze %dma_wait3A_182 : memref<1x128xi32, #tpu.memory_space<vmem>> -> memref<128xi32, #tpu.memory_space<vmem>>
      %dma_wait3A_184 = tpu.memref_slice %arg3[%add3A_15] : memref<32768xi32, #tpu.memory_space<hbm>> -> memref<128xi32, #tpu.memory_space<hbm>>
      tpu.wait_dma2 semaphore(%run_scoped3A_168 : memref<!tpu.dma_semaphore, #tpu.memory_space<semaphore_mem>>) src(%dma_wait3A_184 : memref<128xi32, #tpu.memory_space<hbm>>) dst(%dma_wait3A_183 : memref<128xi32, #tpu.memory_space<vmem>>)
      tpu.yield
    }) : () -> ()
    %add3A_17 = arith.constant 640 : i32
    %add3A_18 = arith.addi %mul3A_2, %add3A_17 : i32
    %run_scoped3A_19 = arith.constant 5 : i32
    "tpu.region"() ({
      %run_scoped3A_168 = tpu.sem_alloc : memref<!tpu.dma_semaphore, #tpu.memory_space<semaphore_mem>>
      %dma_start3A_169 = arith.constant 0 : i32
      %dma_start3A_170 = tpu.memref_slice %arg8[%run_scoped3A_19, %dma_start3A_169] : memref<8x128xi32, #tpu.memory_space<vmem>> -> memref<1x128xi32, #tpu.memory_space<vmem>>
      %dma_start3A_171 = tpu.memref_squeeze %dma_start3A_170 : memref<1x128xi32, #tpu.memory_space<vmem>> -> memref<128xi32, #tpu.memory_space<vmem>>
      %dma_start3A_172 = tpu.memref_slice %arg3[%add3A_18] : memref<32768xi32, #tpu.memory_space<hbm>> -> memref<128xi32, #tpu.memory_space<hbm>>
      %dma_start3A_173 = arith.constant 0 : i32
      %dma_start3A_174 = tpu.memref_slice %arg8[%run_scoped3A_19, %dma_start3A_173] : memref<8x128xi32, #tpu.memory_space<vmem>> -> memref<1x128xi32, #tpu.memory_space<vmem>>
      %dma_start3A_175 = tpu.memref_squeeze %dma_start3A_174 : memref<1x128xi32, #tpu.memory_space<vmem>> -> memref<128xi32, #tpu.memory_space<vmem>>
      %dma_start3A_176 = tpu.memref_slice %arg3[%add3A_18] : memref<32768xi32, #tpu.memory_space<hbm>> -> memref<128xi32, #tpu.memory_space<hbm>>
      tpu.enqueue_dma source(%dma_start3A_176 : memref<128xi32, #tpu.memory_space<hbm>>) target(%dma_start3A_175 : memref<128xi32, #tpu.memory_space<vmem>>) target_semaphore(%run_scoped3A_168 : memref<!tpu.dma_semaphore, #tpu.memory_space<semaphore_mem>>)
      %dma_wait3A_177 = arith.constant 0 : i32
      %dma_wait3A_178 = tpu.memref_slice %arg8[%run_scoped3A_19, %dma_wait3A_177] : memref<8x128xi32, #tpu.memory_space<vmem>> -> memref<1x128xi32, #tpu.memory_space<vmem>>
      %dma_wait3A_179 = tpu.memref_squeeze %dma_wait3A_178 : memref<1x128xi32, #tpu.memory_space<vmem>> -> memref<128xi32, #tpu.memory_space<vmem>>
      %dma_wait3A_180 = tpu.memref_slice %arg3[%add3A_18] : memref<32768xi32, #tpu.memory_space<hbm>> -> memref<128xi32, #tpu.memory_space<hbm>>
      %dma_wait3A_181 = arith.constant 0 : i32
      %dma_wait3A_182 = tpu.memref_slice %arg8[%run_scoped3A_19, %dma_wait3A_181] : memref<8x128xi32, #tpu.memory_space<vmem>> -> memref<1x128xi32, #tpu.memory_space<vmem>>
      %dma_wait3A_183 = tpu.memref_squeeze %dma_wait3A_182 : memref<1x128xi32, #tpu.memory_space<vmem>> -> memref<128xi32, #tpu.memory_space<vmem>>
      %dma_wait3A_184 = tpu.memref_slice %arg3[%add3A_18] : memref<32768xi32, #tpu.memory_space<hbm>> -> memref<128xi32, #tpu.memory_space<hbm>>
      tpu.wait_dma2 semaphore(%run_scoped3A_168 : memref<!tpu.dma_semaphore, #tpu.memory_space<semaphore_mem>>) src(%dma_wait3A_184 : memref<128xi32, #tpu.memory_space<hbm>>) dst(%dma_wait3A_183 : memref<128xi32, #tpu.memory_space<vmem>>)
      tpu.yield
    }) : () -> ()
    %add3A_20 = arith.constant 768 : i32
    %add3A_21 = arith.addi %mul3A_2, %add3A_20 : i32
    %run_scoped3A_22 = arith.constant 6 : i32
    "tpu.region"() ({
      %run_scoped3A_168 = tpu.sem_alloc : memref<!tpu.dma_semaphore, #tpu.memory_space<semaphore_mem>>
      %dma_start3A_169 = arith.constant 0 : i32
      %dma_start3A_170 = tpu.memref_slice %arg8[%run_scoped3A_22, %dma_start3A_169] : memref<8x128xi32, #tpu.memory_space<vmem>> -> memref<1x128xi32, #tpu.memory_space<vmem>>
      %dma_start3A_171 = tpu.memref_squeeze %dma_start3A_170 : memref<1x128xi32, #tpu.memory_space<vmem>> -> memref<128xi32, #tpu.memory_space<vmem>>
      %dma_start3A_172 = tpu.memref_slice %arg3[%add3A_21] : memref<32768xi32, #tpu.memory_space<hbm>> -> memref<128xi32, #tpu.memory_space<hbm>>
      %dma_start3A_173 = arith.constant 0 : i32
      %dma_start3A_174 = tpu.memref_slice %arg8[%run_scoped3A_22, %dma_start3A_173] : memref<8x128xi32, #tpu.memory_space<vmem>> -> memref<1x128xi32, #tpu.memory_space<vmem>>
      %dma_start3A_175 = tpu.memref_squeeze %dma_start3A_174 : memref<1x128xi32, #tpu.memory_space<vmem>> -> memref<128xi32, #tpu.memory_space<vmem>>
      %dma_start3A_176 = tpu.memref_slice %arg3[%add3A_21] : memref<32768xi32, #tpu.memory_space<hbm>> -> memref<128xi32, #tpu.memory_space<hbm>>
      tpu.enqueue_dma source(%dma_start3A_176 : memref<128xi32, #tpu.memory_space<hbm>>) target(%dma_start3A_175 : memref<128xi32, #tpu.memory_space<vmem>>) target_semaphore(%run_scoped3A_168 : memref<!tpu.dma_semaphore, #tpu.memory_space<semaphore_mem>>)
      %dma_wait3A_177 = arith.constant 0 : i32
      %dma_wait3A_178 = tpu.memref_slice %arg8[%run_scoped3A_22, %dma_wait3A_177] : memref<8x128xi32, #tpu.memory_space<vmem>> -> memref<1x128xi32, #tpu.memory_space<vmem>>
      %dma_wait3A_179 = tpu.memref_squeeze %dma_wait3A_178 : memref<1x128xi32, #tpu.memory_space<vmem>> -> memref<128xi32, #tpu.memory_space<vmem>>
      %dma_wait3A_180 = tpu.memref_slice %arg3[%add3A_21] : memref<32768xi32, #tpu.memory_space<hbm>> -> memref<128xi32, #tpu.memory_space<hbm>>
      %dma_wait3A_181 = arith.constant 0 : i32
      %dma_wait3A_182 = tpu.memref_slice %arg8[%run_scoped3A_22, %dma_wait3A_181] : memref<8x128xi32, #tpu.memory_space<vmem>> -> memref<1x128xi32, #tpu.memory_space<vmem>>
      %dma_wait3A_183 = tpu.memref_squeeze %dma_wait3A_182 : memref<1x128xi32, #tpu.memory_space<vmem>> -> memref<128xi32, #tpu.memory_space<vmem>>
      %dma_wait3A_184 = tpu.memref_slice %arg3[%add3A_21] : memref<32768xi32, #tpu.memory_space<hbm>> -> memref<128xi32, #tpu.memory_space<hbm>>
      tpu.wait_dma2 semaphore(%run_scoped3A_168 : memref<!tpu.dma_semaphore, #tpu.memory_space<semaphore_mem>>) src(%dma_wait3A_184 : memref<128xi32, #tpu.memory_space<hbm>>) dst(%dma_wait3A_183 : memref<128xi32, #tpu.memory_space<vmem>>)
      tpu.yield
    }) : () -> ()
    %add3A_23 = arith.constant 896 : i32
    %add3A_24 = arith.addi %mul3A_2, %add3A_23 : i32
    %run_scoped3A_25 = arith.constant 7 : i32
    "tpu.region"() ({
      %run_scoped3A_168 = tpu.sem_alloc : memref<!tpu.dma_semaphore, #tpu.memory_space<semaphore_mem>>
      %dma_start3A_169 = arith.constant 0 : i32
      %dma_start3A_170 = tpu.memref_slice %arg8[%run_scoped3A_25, %dma_start3A_169] : memref<8x128xi32, #tpu.memory_space<vmem>> -> memref<1x128xi32, #tpu.memory_space<vmem>>
      %dma_start3A_171 = tpu.memref_squeeze %dma_start3A_170 : memref<1x128xi32, #tpu.memory_space<vmem>> -> memref<128xi32, #tpu.memory_space<vmem>>
      %dma_start3A_172 = tpu.memref_slice %arg3[%add3A_24] : memref<32768xi32, #tpu.memory_space<hbm>> -> memref<128xi32, #tpu.memory_space<hbm>>
      %dma_start3A_173 = arith.constant 0 : i32
      %dma_start3A_174 = tpu.memref_slice %arg8[%run_scoped3A_25, %dma_start3A_173] : memref<8x128xi32, #tpu.memory_space<vmem>> -> memref<1x128xi32, #tpu.memory_space<vmem>>
      %dma_start3A_175 = tpu.memref_squeeze %dma_start3A_174 : memref<1x128xi32, #tpu.memory_space<vmem>> -> memref<128xi32, #tpu.memory_space<vmem>>
      %dma_start3A_176 = tpu.memref_slice %arg3[%add3A_24] : memref<32768xi32, #tpu.memory_space<hbm>> -> memref<128xi32, #tpu.memory_space<hbm>>
      tpu.enqueue_dma source(%dma_start3A_176 : memref<128xi32, #tpu.memory_space<hbm>>) target(%dma_start3A_175 : memref<128xi32, #tpu.memory_space<vmem>>) target_semaphore(%run_scoped3A_168 : memref<!tpu.dma_semaphore, #tpu.memory_space<semaphore_mem>>)
      %dma_wait3A_177 = arith.constant 0 : i32
      %dma_wait3A_178 = tpu.memref_slice %arg8[%run_scoped3A_25, %dma_wait3A_177] : memref<8x128xi32, #tpu.memory_space<vmem>> -> memref<1x128xi32, #tpu.memory_space<vmem>>
      %dma_wait3A_179 = tpu.memref_squeeze %dma_wait3A_178 : memref<1x128xi32, #tpu.memory_space<vmem>> -> memref<128xi32, #tpu.memory_space<vmem>>
      %dma_wait3A_180 = tpu.memref_slice %arg3[%add3A_24] : memref<32768xi32, #tpu.memory_space<hbm>> -> memref<128xi32, #tpu.memory_space<hbm>>
      %dma_wait3A_181 = arith.constant 0 : i32
      %dma_wait3A_182 = tpu.memref_slice %arg8[%run_scoped3A_25, %dma_wait3A_181] : memref<8x128xi32, #tpu.memory_space<vmem>> -> memref<1x128xi32, #tpu.memory_space<vmem>>
      %dma_wait3A_183 = tpu.memref_squeeze %dma_wait3A_182 : memref<1x128xi32, #tpu.memory_space<vmem>> -> memref<128xi32, #tpu.memory_space<vmem>>
      %dma_wait3A_184 = tpu.memref_slice %arg3[%add3A_24] : memref<32768xi32, #tpu.memory_space<hbm>> -> memref<128xi32, #tpu.memory_space<hbm>>
      tpu.wait_dma2 semaphore(%run_scoped3A_168 : memref<!tpu.dma_semaphore, #tpu.memory_space<semaphore_mem>>) src(%dma_wait3A_184 : memref<128xi32, #tpu.memory_space<hbm>>) dst(%dma_wait3A_183 : memref<128xi32, #tpu.memory_space<vmem>>)
      tpu.yield
    }) : () -> ()
    "tpu.region"() ({
      %run_scoped3A_168 = tpu.sem_alloc : memref<!tpu.dma_semaphore, #tpu.memory_space<semaphore_mem>>
      tpu.enqueue_dma source(%arg5 : memref<128xi32, #tpu.memory_space<hbm>>) target(%arg11 : memref<128xi32, #tpu.memory_space<vmem>>) target_semaphore(%run_scoped3A_168 : memref<!tpu.dma_semaphore, #tpu.memory_space<semaphore_mem>>)
      tpu.wait_dma2 semaphore(%run_scoped3A_168 : memref<!tpu.dma_semaphore, #tpu.memory_space<semaphore_mem>>) src(%arg5 : memref<128xi32, #tpu.memory_space<hbm>>) dst(%arg11 : memref<128xi32, #tpu.memory_space<vmem>>)
      tpu.yield
    }) : () -> ()
    %eq3A = arith.constant 0 : i32
    %eq3A_26 = arith.cmpi eq, %arg1, %eq3A : i32
    %convert_element_type3A = arith.extui %eq3A_26 : i1 to i32
    %cond3A = arith.constant 0 : i32
    %cond3A_27 = arith.cmpi ne, %convert_element_type3A, %cond3A : i32
    scf.if %cond3A_27 {
      "tpu.region"() ({
        %run_scoped3A_168 = tpu.sem_alloc : memref<!tpu.dma_semaphore, #tpu.memory_space<semaphore_mem>>
        tpu.enqueue_dma source(%arg4 : memref<8192xi32, #tpu.memory_space<hbm>>) target(%arg13 : memref<8192xi32, #tpu.memory_space<vmem_shared>>) target_semaphore(%run_scoped3A_168 : memref<!tpu.dma_semaphore, #tpu.memory_space<semaphore_mem>>)
        tpu.wait_dma2 semaphore(%run_scoped3A_168 : memref<!tpu.dma_semaphore, #tpu.memory_space<semaphore_mem>>) src(%arg4 : memref<8192xi32, #tpu.memory_space<hbm>>) dst(%arg13 : memref<8192xi32, #tpu.memory_space<vmem_shared>>)
        tpu.yield
      }) : () -> ()
    } else {
    }
    %barrier3A = arith.constant 0 : index
    tpu.barrier barrier_id(%barrier3A)
    %run_scoped3A_28 = arith.constant 0 : i32
    "tpu.region"() ({
      %run_scoped3A_168 = tpu.sem_alloc : memref<!tpu.dma_semaphore, #tpu.memory_space<semaphore_mem>>
      %dma_start3A_169 = arith.constant 0 : i32
      %dma_start3A_170 = tpu.memref_slice %arg8[%run_scoped3A_28, %dma_start3A_169] : memref<8x128xi32, #tpu.memory_space<vmem>> -> memref<1x128xi32, #tpu.memory_space<vmem>>
      %dma_start3A_171 = tpu.memref_squeeze %dma_start3A_170 : memref<1x128xi32, #tpu.memory_space<vmem>> -> memref<128xi32, #tpu.memory_space<vmem>>
      %dma_start3A_172 = arith.constant 0 : i32
      %dma_start3A_173 = tpu.memref_slice %arg13[%dma_start3A_172] : memref<8192xi32, #tpu.memory_space<vmem_shared>> -> memref<8192xi32, #tpu.memory_space<vmem_shared>>
      tpu.enqueue_indirect_dma source(%arg11 : memref<128xi32, #tpu.memory_space<vmem>>) target(%dma_start3A_173 : memref<8192xi32, #tpu.memory_space<vmem_shared>>) offsets(%dma_start3A_171 : memref<128xi32, #tpu.memory_space<vmem>>) semaphore(%run_scoped3A_168 : memref<!tpu.dma_semaphore, #tpu.memory_space<semaphore_mem>>) {add = true}
      %dma_wait3A_174 = arith.constant 0 : i32
      %dma_wait3A_175 = tpu.memref_slice %arg8[%run_scoped3A_28, %dma_wait3A_174] : memref<8x128xi32, #tpu.memory_space<vmem>> -> memref<1x128xi32, #tpu.memory_space<vmem>>
      %dma_wait3A_176 = tpu.memref_squeeze %dma_wait3A_175 : memref<1x128xi32, #tpu.memory_space<vmem>> -> memref<128xi32, #tpu.memory_space<vmem>>
      %dma_wait3A_177 = arith.constant 0 : i32
      %dma_wait3A_178 = tpu.memref_slice %arg13[%dma_wait3A_177] : memref<8192xi32, #tpu.memory_space<vmem_shared>> -> memref<8192xi32, #tpu.memory_space<vmem_shared>>
      tpu.wait_indirect_dma semaphore(%run_scoped3A_168 : memref<!tpu.dma_semaphore, #tpu.memory_space<semaphore_mem>>) src(%arg11 : memref<128xi32, #tpu.memory_space<vmem>>) dst(%dma_wait3A_178 : memref<8192xi32, #tpu.memory_space<vmem_shared>>)
      tpu.yield
    }) : () -> ()
    %run_scoped3A_29 = arith.constant 1 : i32
    "tpu.region"() ({
      %run_scoped3A_168 = tpu.sem_alloc : memref<!tpu.dma_semaphore, #tpu.memory_space<semaphore_mem>>
      %dma_start3A_169 = arith.constant 0 : i32
      %dma_start3A_170 = tpu.memref_slice %arg8[%run_scoped3A_29, %dma_start3A_169] : memref<8x128xi32, #tpu.memory_space<vmem>> -> memref<1x128xi32, #tpu.memory_space<vmem>>
      %dma_start3A_171 = tpu.memref_squeeze %dma_start3A_170 : memref<1x128xi32, #tpu.memory_space<vmem>> -> memref<128xi32, #tpu.memory_space<vmem>>
      %dma_start3A_172 = arith.constant 0 : i32
      %dma_start3A_173 = tpu.memref_slice %arg13[%dma_start3A_172] : memref<8192xi32, #tpu.memory_space<vmem_shared>> -> memref<8192xi32, #tpu.memory_space<vmem_shared>>
      tpu.enqueue_indirect_dma source(%arg11 : memref<128xi32, #tpu.memory_space<vmem>>) target(%dma_start3A_173 : memref<8192xi32, #tpu.memory_space<vmem_shared>>) offsets(%dma_start3A_171 : memref<128xi32, #tpu.memory_space<vmem>>) semaphore(%run_scoped3A_168 : memref<!tpu.dma_semaphore, #tpu.memory_space<semaphore_mem>>) {add = true}
      %dma_wait3A_174 = arith.constant 0 : i32
      %dma_wait3A_175 = tpu.memref_slice %arg8[%run_scoped3A_29, %dma_wait3A_174] : memref<8x128xi32, #tpu.memory_space<vmem>> -> memref<1x128xi32, #tpu.memory_space<vmem>>
      %dma_wait3A_176 = tpu.memref_squeeze %dma_wait3A_175 : memref<1x128xi32, #tpu.memory_space<vmem>> -> memref<128xi32, #tpu.memory_space<vmem>>
      %dma_wait3A_177 = arith.constant 0 : i32
      %dma_wait3A_178 = tpu.memref_slice %arg13[%dma_wait3A_177] : memref<8192xi32, #tpu.memory_space<vmem_shared>> -> memref<8192xi32, #tpu.memory_space<vmem_shared>>
      tpu.wait_indirect_dma semaphore(%run_scoped3A_168 : memref<!tpu.dma_semaphore, #tpu.memory_space<semaphore_mem>>) src(%arg11 : memref<128xi32, #tpu.memory_space<vmem>>) dst(%dma_wait3A_178 : memref<8192xi32, #tpu.memory_space<vmem_shared>>)
      tpu.yield
    }) : () -> ()
    %run_scoped3A_30 = arith.constant 2 : i32
    "tpu.region"() ({
      %run_scoped3A_168 = tpu.sem_alloc : memref<!tpu.dma_semaphore, #tpu.memory_space<semaphore_mem>>
      %dma_start3A_169 = arith.constant 0 : i32
      %dma_start3A_170 = tpu.memref_slice %arg8[%run_scoped3A_30, %dma_start3A_169] : memref<8x128xi32, #tpu.memory_space<vmem>> -> memref<1x128xi32, #tpu.memory_space<vmem>>
      %dma_start3A_171 = tpu.memref_squeeze %dma_start3A_170 : memref<1x128xi32, #tpu.memory_space<vmem>> -> memref<128xi32, #tpu.memory_space<vmem>>
      %dma_start3A_172 = arith.constant 0 : i32
      %dma_start3A_173 = tpu.memref_slice %arg13[%dma_start3A_172] : memref<8192xi32, #tpu.memory_space<vmem_shared>> -> memref<8192xi32, #tpu.memory_space<vmem_shared>>
      tpu.enqueue_indirect_dma source(%arg11 : memref<128xi32, #tpu.memory_space<vmem>>) target(%dma_start3A_173 : memref<8192xi32, #tpu.memory_space<vmem_shared>>) offsets(%dma_start3A_171 : memref<128xi32, #tpu.memory_space<vmem>>) semaphore(%run_scoped3A_168 : memref<!tpu.dma_semaphore, #tpu.memory_space<semaphore_mem>>) {add = true}
      %dma_wait3A_174 = arith.constant 0 : i32
      %dma_wait3A_175 = tpu.memref_slice %arg8[%run_scoped3A_30, %dma_wait3A_174] : memref<8x128xi32, #tpu.memory_space<vmem>> -> memref<1x128xi32, #tpu.memory_space<vmem>>
      %dma_wait3A_176 = tpu.memref_squeeze %dma_wait3A_175 : memref<1x128xi32, #tpu.memory_space<vmem>> -> memref<128xi32, #tpu.memory_space<vmem>>
      %dma_wait3A_177 = arith.constant 0 : i32
      %dma_wait3A_178 = tpu.memref_slice %arg13[%dma_wait3A_177] : memref<8192xi32, #tpu.memory_space<vmem_shared>> -> memref<8192xi32, #tpu.memory_space<vmem_shared>>
      tpu.wait_indirect_dma semaphore(%run_scoped3A_168 : memref<!tpu.dma_semaphore, #tpu.memory_space<semaphore_mem>>) src(%arg11 : memref<128xi32, #tpu.memory_space<vmem>>) dst(%dma_wait3A_178 : memref<8192xi32, #tpu.memory_space<vmem_shared>>)
      tpu.yield
    }) : () -> ()
    %run_scoped3A_31 = arith.constant 3 : i32
    "tpu.region"() ({
      %run_scoped3A_168 = tpu.sem_alloc : memref<!tpu.dma_semaphore, #tpu.memory_space<semaphore_mem>>
      %dma_start3A_169 = arith.constant 0 : i32
      %dma_start3A_170 = tpu.memref_slice %arg8[%run_scoped3A_31, %dma_start3A_169] : memref<8x128xi32, #tpu.memory_space<vmem>> -> memref<1x128xi32, #tpu.memory_space<vmem>>
      %dma_start3A_171 = tpu.memref_squeeze %dma_start3A_170 : memref<1x128xi32, #tpu.memory_space<vmem>> -> memref<128xi32, #tpu.memory_space<vmem>>
      %dma_start3A_172 = arith.constant 0 : i32
      %dma_start3A_173 = tpu.memref_slice %arg13[%dma_start3A_172] : memref<8192xi32, #tpu.memory_space<vmem_shared>> -> memref<8192xi32, #tpu.memory_space<vmem_shared>>
      tpu.enqueue_indirect_dma source(%arg11 : memref<128xi32, #tpu.memory_space<vmem>>) target(%dma_start3A_173 : memref<8192xi32, #tpu.memory_space<vmem_shared>>) offsets(%dma_start3A_171 : memref<128xi32, #tpu.memory_space<vmem>>) semaphore(%run_scoped3A_168 : memref<!tpu.dma_semaphore, #tpu.memory_space<semaphore_mem>>) {add = true}
      %dma_wait3A_174 = arith.constant 0 : i32
      %dma_wait3A_175 = tpu.memref_slice %arg8[%run_scoped3A_31, %dma_wait3A_174] : memref<8x128xi32, #tpu.memory_space<vmem>> -> memref<1x128xi32, #tpu.memory_space<vmem>>
      %dma_wait3A_176 = tpu.memref_squeeze %dma_wait3A_175 : memref<1x128xi32, #tpu.memory_space<vmem>> -> memref<128xi32, #tpu.memory_space<vmem>>
      %dma_wait3A_177 = arith.constant 0 : i32
      %dma_wait3A_178 = tpu.memref_slice %arg13[%dma_wait3A_177] : memref<8192xi32, #tpu.memory_space<vmem_shared>> -> memref<8192xi32, #tpu.memory_space<vmem_shared>>
      tpu.wait_indirect_dma semaphore(%run_scoped3A_168 : memref<!tpu.dma_semaphore, #tpu.memory_space<semaphore_mem>>) src(%arg11 : memref<128xi32, #tpu.memory_space<vmem>>) dst(%dma_wait3A_178 : memref<8192xi32, #tpu.memory_space<vmem_shared>>)
      tpu.yield
    }) : () -> ()
    %run_scoped3A_32 = arith.constant 4 : i32
    "tpu.region"() ({
      %run_scoped3A_168 = tpu.sem_alloc : memref<!tpu.dma_semaphore, #tpu.memory_space<semaphore_mem>>
      %dma_start3A_169 = arith.constant 0 : i32
      %dma_start3A_170 = tpu.memref_slice %arg8[%run_scoped3A_32, %dma_start3A_169] : memref<8x128xi32, #tpu.memory_space<vmem>> -> memref<1x128xi32, #tpu.memory_space<vmem>>
      %dma_start3A_171 = tpu.memref_squeeze %dma_start3A_170 : memref<1x128xi32, #tpu.memory_space<vmem>> -> memref<128xi32, #tpu.memory_space<vmem>>
      %dma_start3A_172 = arith.constant 0 : i32
      %dma_start3A_173 = tpu.memref_slice %arg13[%dma_start3A_172] : memref<8192xi32, #tpu.memory_space<vmem_shared>> -> memref<8192xi32, #tpu.memory_space<vmem_shared>>
      tpu.enqueue_indirect_dma source(%arg11 : memref<128xi32, #tpu.memory_space<vmem>>) target(%dma_start3A_173 : memref<8192xi32, #tpu.memory_space<vmem_shared>>) offsets(%dma_start3A_171 : memref<128xi32, #tpu.memory_space<vmem>>) semaphore(%run_scoped3A_168 : memref<!tpu.dma_semaphore, #tpu.memory_space<semaphore_mem>>) {add = true}
      %dma_wait3A_174 = arith.constant 0 : i32
      %dma_wait3A_175 = tpu.memref_slice %arg8[%run_scoped3A_32, %dma_wait3A_174] : memref<8x128xi32, #tpu.memory_space<vmem>> -> memref<1x128xi32, #tpu.memory_space<vmem>>
      %dma_wait3A_176 = tpu.memref_squeeze %dma_wait3A_175 : memref<1x128xi32, #tpu.memory_space<vmem>> -> memref<128xi32, #tpu.memory_space<vmem>>
      %dma_wait3A_177 = arith.constant 0 : i32
      %dma_wait3A_178 = tpu.memref_slice %arg13[%dma_wait3A_177] : memref<8192xi32, #tpu.memory_space<vmem_shared>> -> memref<8192xi32, #tpu.memory_space<vmem_shared>>
      tpu.wait_indirect_dma semaphore(%run_scoped3A_168 : memref<!tpu.dma_semaphore, #tpu.memory_space<semaphore_mem>>) src(%arg11 : memref<128xi32, #tpu.memory_space<vmem>>) dst(%dma_wait3A_178 : memref<8192xi32, #tpu.memory_space<vmem_shared>>)
      tpu.yield
    }) : () -> ()
    %run_scoped3A_33 = arith.constant 5 : i32
    "tpu.region"() ({
      %run_scoped3A_168 = tpu.sem_alloc : memref<!tpu.dma_semaphore, #tpu.memory_space<semaphore_mem>>
      %dma_start3A_169 = arith.constant 0 : i32
      %dma_start3A_170 = tpu.memref_slice %arg8[%run_scoped3A_33, %dma_start3A_169] : memref<8x128xi32, #tpu.memory_space<vmem>> -> memref<1x128xi32, #tpu.memory_space<vmem>>
      %dma_start3A_171 = tpu.memref_squeeze %dma_start3A_170 : memref<1x128xi32, #tpu.memory_space<vmem>> -> memref<128xi32, #tpu.memory_space<vmem>>
      %dma_start3A_172 = arith.constant 0 : i32
      %dma_start3A_173 = tpu.memref_slice %arg13[%dma_start3A_172] : memref<8192xi32, #tpu.memory_space<vmem_shared>> -> memref<8192xi32, #tpu.memory_space<vmem_shared>>
      tpu.enqueue_indirect_dma source(%arg11 : memref<128xi32, #tpu.memory_space<vmem>>) target(%dma_start3A_173 : memref<8192xi32, #tpu.memory_space<vmem_shared>>) offsets(%dma_start3A_171 : memref<128xi32, #tpu.memory_space<vmem>>) semaphore(%run_scoped3A_168 : memref<!tpu.dma_semaphore, #tpu.memory_space<semaphore_mem>>) {add = true}
      %dma_wait3A_174 = arith.constant 0 : i32
      %dma_wait3A_175 = tpu.memref_slice %arg8[%run_scoped3A_33, %dma_wait3A_174] : memref<8x128xi32, #tpu.memory_space<vmem>> -> memref<1x128xi32, #tpu.memory_space<vmem>>
      %dma_wait3A_176 = tpu.memref_squeeze %dma_wait3A_175 : memref<1x128xi32, #tpu.memory_space<vmem>> -> memref<128xi32, #tpu.memory_space<vmem>>
      %dma_wait3A_177 = arith.constant 0 : i32
      %dma_wait3A_178 = tpu.memref_slice %arg13[%dma_wait3A_177] : memref<8192xi32, #tpu.memory_space<vmem_shared>> -> memref<8192xi32, #tpu.memory_space<vmem_shared>>
      tpu.wait_indirect_dma semaphore(%run_scoped3A_168 : memref<!tpu.dma_semaphore, #tpu.memory_space<semaphore_mem>>) src(%arg11 : memref<128xi32, #tpu.memory_space<vmem>>) dst(%dma_wait3A_178 : memref<8192xi32, #tpu.memory_space<vmem_shared>>)
      tpu.yield
    }) : () -> ()
    %run_scoped3A_34 = arith.constant 6 : i32
    "tpu.region"() ({
      %run_scoped3A_168 = tpu.sem_alloc : memref<!tpu.dma_semaphore, #tpu.memory_space<semaphore_mem>>
      %dma_start3A_169 = arith.constant 0 : i32
      %dma_start3A_170 = tpu.memref_slice %arg8[%run_scoped3A_34, %dma_start3A_169] : memref<8x128xi32, #tpu.memory_space<vmem>> -> memref<1x128xi32, #tpu.memory_space<vmem>>
      %dma_start3A_171 = tpu.memref_squeeze %dma_start3A_170 : memref<1x128xi32, #tpu.memory_space<vmem>> -> memref<128xi32, #tpu.memory_space<vmem>>
      %dma_start3A_172 = arith.constant 0 : i32
      %dma_start3A_173 = tpu.memref_slice %arg13[%dma_start3A_172] : memref<8192xi32, #tpu.memory_space<vmem_shared>> -> memref<8192xi32, #tpu.memory_space<vmem_shared>>
      tpu.enqueue_indirect_dma source(%arg11 : memref<128xi32, #tpu.memory_space<vmem>>) target(%dma_start3A_173 : memref<8192xi32, #tpu.memory_space<vmem_shared>>) offsets(%dma_start3A_171 : memref<128xi32, #tpu.memory_space<vmem>>) semaphore(%run_scoped3A_168 : memref<!tpu.dma_semaphore, #tpu.memory_space<semaphore_mem>>) {add = true}
      %dma_wait3A_174 = arith.constant 0 : i32
      %dma_wait3A_175 = tpu.memref_slice %arg8[%run_scoped3A_34, %dma_wait3A_174] : memref<8x128xi32, #tpu.memory_space<vmem>> -> memref<1x128xi32, #tpu.memory_space<vmem>>
      %dma_wait3A_176 = tpu.memref_squeeze %dma_wait3A_175 : memref<1x128xi32, #tpu.memory_space<vmem>> -> memref<128xi32, #tpu.memory_space<vmem>>
      %dma_wait3A_177 = arith.constant 0 : i32
      %dma_wait3A_178 = tpu.memref_slice %arg13[%dma_wait3A_177] : memref<8192xi32, #tpu.memory_space<vmem_shared>> -> memref<8192xi32, #tpu.memory_space<vmem_shared>>
      tpu.wait_indirect_dma semaphore(%run_scoped3A_168 : memref<!tpu.dma_semaphore, #tpu.memory_space<semaphore_mem>>) src(%arg11 : memref<128xi32, #tpu.memory_space<vmem>>) dst(%dma_wait3A_178 : memref<8192xi32, #tpu.memory_space<vmem_shared>>)
      tpu.yield
    }) : () -> ()
    %run_scoped3A_35 = arith.constant 7 : i32
    "tpu.region"() ({
      %run_scoped3A_168 = tpu.sem_alloc : memref<!tpu.dma_semaphore, #tpu.memory_space<semaphore_mem>>
      %dma_start3A_169 = arith.constant 0 : i32
      %dma_start3A_170 = tpu.memref_slice %arg8[%run_scoped3A_35, %dma_start3A_169] : memref<8x128xi32, #tpu.memory_space<vmem>> -> memref<1x128xi32, #tpu.memory_space<vmem>>
      %dma_start3A_171 = tpu.memref_squeeze %dma_start3A_170 : memref<1x128xi32, #tpu.memory_space<vmem>> -> memref<128xi32, #tpu.memory_space<vmem>>
      %dma_start3A_172 = arith.constant 0 : i32
      %dma_start3A_173 = tpu.memref_slice %arg13[%dma_start3A_172] : memref<8192xi32, #tpu.memory_space<vmem_shared>> -> memref<8192xi32, #tpu.memory_space<vmem_shared>>
      tpu.enqueue_indirect_dma source(%arg11 : memref<128xi32, #tpu.memory_space<vmem>>) target(%dma_start3A_173 : memref<8192xi32, #tpu.memory_space<vmem_shared>>) offsets(%dma_start3A_171 : memref<128xi32, #tpu.memory_space<vmem>>) semaphore(%run_scoped3A_168 : memref<!tpu.dma_semaphore, #tpu.memory_space<semaphore_mem>>) {add = true}
      %dma_wait3A_174 = arith.constant 0 : i32
      %dma_wait3A_175 = tpu.memref_slice %arg8[%run_scoped3A_35, %dma_wait3A_174] : memref<8x128xi32, #tpu.memory_space<vmem>> -> memref<1x128xi32, #tpu.memory_space<vmem>>
      %dma_wait3A_176 = tpu.memref_squeeze %dma_wait3A_175 : memref<1x128xi32, #tpu.memory_space<vmem>> -> memref<128xi32, #tpu.memory_space<vmem>>
      %dma_wait3A_177 = arith.constant 0 : i32
      %dma_wait3A_178 = tpu.memref_slice %arg13[%dma_wait3A_177] : memref<8192xi32, #tpu.memory_space<vmem_shared>> -> memref<8192xi32, #tpu.memory_space<vmem_shared>>
      tpu.wait_indirect_dma semaphore(%run_scoped3A_168 : memref<!tpu.dma_semaphore, #tpu.memory_space<semaphore_mem>>) src(%arg11 : memref<128xi32, #tpu.memory_space<vmem>>) dst(%dma_wait3A_178 : memref<8192xi32, #tpu.memory_space<vmem_shared>>)
      tpu.yield
    }) : () -> ()
    %dma_start3A = arith.constant 0 : i32
    %dma_start3A_36 = arith.constant 0 : i32
    %dma_start3A_37 = tpu.memref_slice %arg8[%dma_start3A, %dma_start3A_36] : memref<8x128xi32, #tpu.memory_space<vmem>> -> memref<1x128xi32, #tpu.memory_space<vmem>>
    %dma_start3A_38 = tpu.memref_squeeze %dma_start3A_37 : memref<1x128xi32, #tpu.memory_space<vmem>> -> memref<128xi32, #tpu.memory_space<vmem>>
    %dma_start3A_39 = arith.constant 0 : i32
    %dma_start3A_40 = arith.constant 0 : i32
    %dma_start3A_41 = tpu.memref_slice %arg2[%dma_start3A_39, %dma_start3A_40] : memref<8192x256xf32, #tpu.memory_space<hbm>> -> memref<8192x256xf32, #tpu.memory_space<hbm>>
    tpu.enqueue_indirect_dma source(%dma_start3A_41 : memref<8192x256xf32, #tpu.memory_space<hbm>>) target(%arg9 : memref<128x256xf32, #tpu.memory_space<vmem>>) offsets(%dma_start3A_38 : memref<128xi32, #tpu.memory_space<vmem>>) semaphore(%arg14 : memref<!tpu.dma_semaphore, #tpu.memory_space<semaphore_mem>>)
    %dma_start3A_42 = arith.constant 1 : i32
    %dma_start3A_43 = arith.constant 0 : i32
    %dma_start3A_44 = tpu.memref_slice %arg8[%dma_start3A_42, %dma_start3A_43] : memref<8x128xi32, #tpu.memory_space<vmem>> -> memref<1x128xi32, #tpu.memory_space<vmem>>
    %dma_start3A_45 = tpu.memref_squeeze %dma_start3A_44 : memref<1x128xi32, #tpu.memory_space<vmem>> -> memref<128xi32, #tpu.memory_space<vmem>>
    %dma_start3A_46 = arith.constant 0 : i32
    %dma_start3A_47 = arith.constant 0 : i32
    %dma_start3A_48 = tpu.memref_slice %arg2[%dma_start3A_46, %dma_start3A_47] : memref<8192x256xf32, #tpu.memory_space<hbm>> -> memref<8192x256xf32, #tpu.memory_space<hbm>>
    tpu.enqueue_indirect_dma source(%dma_start3A_48 : memref<8192x256xf32, #tpu.memory_space<hbm>>) target(%arg10 : memref<128x256xf32, #tpu.memory_space<vmem>>) offsets(%dma_start3A_45 : memref<128xi32, #tpu.memory_space<vmem>>) semaphore(%arg15 : memref<!tpu.dma_semaphore, #tpu.memory_space<semaphore_mem>>)
    %dma_wait3A = arith.constant 0 : i32
    %dma_wait3A_49 = arith.constant 0 : i32
    %dma_wait3A_50 = tpu.memref_slice %arg8[%dma_wait3A, %dma_wait3A_49] : memref<8x128xi32, #tpu.memory_space<vmem>> -> memref<1x128xi32, #tpu.memory_space<vmem>>
    %dma_wait3A_51 = tpu.memref_squeeze %dma_wait3A_50 : memref<1x128xi32, #tpu.memory_space<vmem>> -> memref<128xi32, #tpu.memory_space<vmem>>
    %dma_wait3A_52 = arith.constant 0 : i32
    %dma_wait3A_53 = arith.constant 0 : i32
    %dma_wait3A_54 = tpu.memref_slice %arg2[%dma_wait3A_52, %dma_wait3A_53] : memref<8192x256xf32, #tpu.memory_space<hbm>> -> memref<8192x256xf32, #tpu.memory_space<hbm>>
    tpu.wait_indirect_dma semaphore(%arg14 : memref<!tpu.dma_semaphore, #tpu.memory_space<semaphore_mem>>) src(%dma_wait3A_54 : memref<8192x256xf32, #tpu.memory_space<hbm>>) dst(%arg9 : memref<128x256xf32, #tpu.memory_space<vmem>>)
    %add3A_55 = arith.constant 0 : i32
    %add3A_56 = arith.addi %mul3A_2, %add3A_55 : i32
    "tpu.region"() ({
      %run_scoped3A_168 = tpu.sem_alloc : memref<!tpu.dma_semaphore, #tpu.memory_space<semaphore_mem>>
      %dma_start3A_169 = arith.constant 0 : i32
      %dma_start3A_170 = tpu.memref_slice %arg6[%add3A_56, %dma_start3A_169] : memref<32768x256xf32, #tpu.memory_space<hbm>> -> memref<128x256xf32, #tpu.memory_space<hbm>>
      %dma_start3A_171 = arith.constant 0 : i32
      %dma_start3A_172 = tpu.memref_slice %arg6[%add3A_56, %dma_start3A_171] : memref<32768x256xf32, #tpu.memory_space<hbm>> -> memref<128x256xf32, #tpu.memory_space<hbm>>
      tpu.enqueue_dma source(%arg9 : memref<128x256xf32, #tpu.memory_space<vmem>>) target(%dma_start3A_172 : memref<128x256xf32, #tpu.memory_space<hbm>>) target_semaphore(%run_scoped3A_168 : memref<!tpu.dma_semaphore, #tpu.memory_space<semaphore_mem>>)
      %dma_wait3A_173 = arith.constant 0 : i32
      %dma_wait3A_174 = tpu.memref_slice %arg6[%add3A_56, %dma_wait3A_173] : memref<32768x256xf32, #tpu.memory_space<hbm>> -> memref<128x256xf32, #tpu.memory_space<hbm>>
      %dma_wait3A_175 = arith.constant 0 : i32
      %dma_wait3A_176 = tpu.memref_slice %arg6[%add3A_56, %dma_wait3A_175] : memref<32768x256xf32, #tpu.memory_space<hbm>> -> memref<128x256xf32, #tpu.memory_space<hbm>>
      tpu.wait_dma2 semaphore(%run_scoped3A_168 : memref<!tpu.dma_semaphore, #tpu.memory_space<semaphore_mem>>) src(%arg9 : memref<128x256xf32, #tpu.memory_space<vmem>>) dst(%dma_wait3A_176 : memref<128x256xf32, #tpu.memory_space<hbm>>)
      tpu.yield
    }) : () -> ()
    %dma_start3A_57 = arith.constant 2 : i32
    %dma_start3A_58 = arith.constant 0 : i32
    %dma_start3A_59 = tpu.memref_slice %arg8[%dma_start3A_57, %dma_start3A_58] : memref<8x128xi32, #tpu.memory_space<vmem>> -> memref<1x128xi32, #tpu.memory_space<vmem>>
    %dma_start3A_60 = tpu.memref_squeeze %dma_start3A_59 : memref<1x128xi32, #tpu.memory_space<vmem>> -> memref<128xi32, #tpu.memory_space<vmem>>
    %dma_start3A_61 = arith.constant 0 : i32
    %dma_start3A_62 = arith.constant 0 : i32
    %dma_start3A_63 = tpu.memref_slice %arg2[%dma_start3A_61, %dma_start3A_62] : memref<8192x256xf32, #tpu.memory_space<hbm>> -> memref<8192x256xf32, #tpu.memory_space<hbm>>
    tpu.enqueue_indirect_dma source(%dma_start3A_63 : memref<8192x256xf32, #tpu.memory_space<hbm>>) target(%arg9 : memref<128x256xf32, #tpu.memory_space<vmem>>) offsets(%dma_start3A_60 : memref<128xi32, #tpu.memory_space<vmem>>) semaphore(%arg14 : memref<!tpu.dma_semaphore, #tpu.memory_space<semaphore_mem>>)
    %dma_wait3A_64 = arith.constant 1 : i32
    %dma_wait3A_65 = arith.constant 0 : i32
    %dma_wait3A_66 = tpu.memref_slice %arg8[%dma_wait3A_64, %dma_wait3A_65] : memref<8x128xi32, #tpu.memory_space<vmem>> -> memref<1x128xi32, #tpu.memory_space<vmem>>
    %dma_wait3A_67 = tpu.memref_squeeze %dma_wait3A_66 : memref<1x128xi32, #tpu.memory_space<vmem>> -> memref<128xi32, #tpu.memory_space<vmem>>
    %dma_wait3A_68 = arith.constant 0 : i32
    %dma_wait3A_69 = arith.constant 0 : i32
    %dma_wait3A_70 = tpu.memref_slice %arg2[%dma_wait3A_68, %dma_wait3A_69] : memref<8192x256xf32, #tpu.memory_space<hbm>> -> memref<8192x256xf32, #tpu.memory_space<hbm>>
    tpu.wait_indirect_dma semaphore(%arg15 : memref<!tpu.dma_semaphore, #tpu.memory_space<semaphore_mem>>) src(%dma_wait3A_70 : memref<8192x256xf32, #tpu.memory_space<hbm>>) dst(%arg10 : memref<128x256xf32, #tpu.memory_space<vmem>>)
    %add3A_71 = arith.constant 128 : i32
    %add3A_72 = arith.addi %mul3A_2, %add3A_71 : i32
    "tpu.region"() ({
      %run_scoped3A_168 = tpu.sem_alloc : memref<!tpu.dma_semaphore, #tpu.memory_space<semaphore_mem>>
      %dma_start3A_169 = arith.constant 0 : i32
      %dma_start3A_170 = tpu.memref_slice %arg6[%add3A_72, %dma_start3A_169] : memref<32768x256xf32, #tpu.memory_space<hbm>> -> memref<128x256xf32, #tpu.memory_space<hbm>>
      %dma_start3A_171 = arith.constant 0 : i32
      %dma_start3A_172 = tpu.memref_slice %arg6[%add3A_72, %dma_start3A_171] : memref<32768x256xf32, #tpu.memory_space<hbm>> -> memref<128x256xf32, #tpu.memory_space<hbm>>
      tpu.enqueue_dma source(%arg10 : memref<128x256xf32, #tpu.memory_space<vmem>>) target(%dma_start3A_172 : memref<128x256xf32, #tpu.memory_space<hbm>>) target_semaphore(%run_scoped3A_168 : memref<!tpu.dma_semaphore, #tpu.memory_space<semaphore_mem>>)
      %dma_wait3A_173 = arith.constant 0 : i32
      %dma_wait3A_174 = tpu.memref_slice %arg6[%add3A_72, %dma_wait3A_173] : memref<32768x256xf32, #tpu.memory_space<hbm>> -> memref<128x256xf32, #tpu.memory_space<hbm>>
      %dma_wait3A_175 = arith.constant 0 : i32
      %dma_wait3A_176 = tpu.memref_slice %arg6[%add3A_72, %dma_wait3A_175] : memref<32768x256xf32, #tpu.memory_space<hbm>> -> memref<128x256xf32, #tpu.memory_space<hbm>>
      tpu.wait_dma2 semaphore(%run_scoped3A_168 : memref<!tpu.dma_semaphore, #tpu.memory_space<semaphore_mem>>) src(%arg10 : memref<128x256xf32, #tpu.memory_space<vmem>>) dst(%dma_wait3A_176 : memref<128x256xf32, #tpu.memory_space<hbm>>)
      tpu.yield
    }) : () -> ()
    %dma_start3A_73 = arith.constant 3 : i32
    %dma_start3A_74 = arith.constant 0 : i32
    %dma_start3A_75 = tpu.memref_slice %arg8[%dma_start3A_73, %dma_start3A_74] : memref<8x128xi32, #tpu.memory_space<vmem>> -> memref<1x128xi32, #tpu.memory_space<vmem>>
    %dma_start3A_76 = tpu.memref_squeeze %dma_start3A_75 : memref<1x128xi32, #tpu.memory_space<vmem>> -> memref<128xi32, #tpu.memory_space<vmem>>
    %dma_start3A_77 = arith.constant 0 : i32
    %dma_start3A_78 = arith.constant 0 : i32
    %dma_start3A_79 = tpu.memref_slice %arg2[%dma_start3A_77, %dma_start3A_78] : memref<8192x256xf32, #tpu.memory_space<hbm>> -> memref<8192x256xf32, #tpu.memory_space<hbm>>
    tpu.enqueue_indirect_dma source(%dma_start3A_79 : memref<8192x256xf32, #tpu.memory_space<hbm>>) target(%arg10 : memref<128x256xf32, #tpu.memory_space<vmem>>) offsets(%dma_start3A_76 : memref<128xi32, #tpu.memory_space<vmem>>) semaphore(%arg15 : memref<!tpu.dma_semaphore, #tpu.memory_space<semaphore_mem>>)
    %dma_wait3A_80 = arith.constant 2 : i32
    %dma_wait3A_81 = arith.constant 0 : i32
    %dma_wait3A_82 = tpu.memref_slice %arg8[%dma_wait3A_80, %dma_wait3A_81] : memref<8x128xi32, #tpu.memory_space<vmem>> -> memref<1x128xi32, #tpu.memory_space<vmem>>
    %dma_wait3A_83 = tpu.memref_squeeze %dma_wait3A_82 : memref<1x128xi32, #tpu.memory_space<vmem>> -> memref<128xi32, #tpu.memory_space<vmem>>
    %dma_wait3A_84 = arith.constant 0 : i32
    %dma_wait3A_85 = arith.constant 0 : i32
    %dma_wait3A_86 = tpu.memref_slice %arg2[%dma_wait3A_84, %dma_wait3A_85] : memref<8192x256xf32, #tpu.memory_space<hbm>> -> memref<8192x256xf32, #tpu.memory_space<hbm>>
    tpu.wait_indirect_dma semaphore(%arg14 : memref<!tpu.dma_semaphore, #tpu.memory_space<semaphore_mem>>) src(%dma_wait3A_86 : memref<8192x256xf32, #tpu.memory_space<hbm>>) dst(%arg9 : memref<128x256xf32, #tpu.memory_space<vmem>>)
    %add3A_87 = arith.constant 256 : i32
    %add3A_88 = arith.addi %mul3A_2, %add3A_87 : i32
    "tpu.region"() ({
      %run_scoped3A_168 = tpu.sem_alloc : memref<!tpu.dma_semaphore, #tpu.memory_space<semaphore_mem>>
      %dma_start3A_169 = arith.constant 0 : i32
      %dma_start3A_170 = tpu.memref_slice %arg6[%add3A_88, %dma_start3A_169] : memref<32768x256xf32, #tpu.memory_space<hbm>> -> memref<128x256xf32, #tpu.memory_space<hbm>>
      %dma_start3A_171 = arith.constant 0 : i32
      %dma_start3A_172 = tpu.memref_slice %arg6[%add3A_88, %dma_start3A_171] : memref<32768x256xf32, #tpu.memory_space<hbm>> -> memref<128x256xf32, #tpu.memory_space<hbm>>
      tpu.enqueue_dma source(%arg9 : memref<128x256xf32, #tpu.memory_space<vmem>>) target(%dma_start3A_172 : memref<128x256xf32, #tpu.memory_space<hbm>>) target_semaphore(%run_scoped3A_168 : memref<!tpu.dma_semaphore, #tpu.memory_space<semaphore_mem>>)
      %dma_wait3A_173 = arith.constant 0 : i32
      %dma_wait3A_174 = tpu.memref_slice %arg6[%add3A_88, %dma_wait3A_173] : memref<32768x256xf32, #tpu.memory_space<hbm>> -> memref<128x256xf32, #tpu.memory_space<hbm>>
      %dma_wait3A_175 = arith.constant 0 : i32
      %dma_wait3A_176 = tpu.memref_slice %arg6[%add3A_88, %dma_wait3A_175] : memref<32768x256xf32, #tpu.memory_space<hbm>> -> memref<128x256xf32, #tpu.memory_space<hbm>>
      tpu.wait_dma2 semaphore(%run_scoped3A_168 : memref<!tpu.dma_semaphore, #tpu.memory_space<semaphore_mem>>) src(%arg9 : memref<128x256xf32, #tpu.memory_space<vmem>>) dst(%dma_wait3A_176 : memref<128x256xf32, #tpu.memory_space<hbm>>)
      tpu.yield
    }) : () -> ()
    %dma_start3A_89 = arith.constant 4 : i32
    %dma_start3A_90 = arith.constant 0 : i32
    %dma_start3A_91 = tpu.memref_slice %arg8[%dma_start3A_89, %dma_start3A_90] : memref<8x128xi32, #tpu.memory_space<vmem>> -> memref<1x128xi32, #tpu.memory_space<vmem>>
    %dma_start3A_92 = tpu.memref_squeeze %dma_start3A_91 : memref<1x128xi32, #tpu.memory_space<vmem>> -> memref<128xi32, #tpu.memory_space<vmem>>
    %dma_start3A_93 = arith.constant 0 : i32
    %dma_start3A_94 = arith.constant 0 : i32
    %dma_start3A_95 = tpu.memref_slice %arg2[%dma_start3A_93, %dma_start3A_94] : memref<8192x256xf32, #tpu.memory_space<hbm>> -> memref<8192x256xf32, #tpu.memory_space<hbm>>
    tpu.enqueue_indirect_dma source(%dma_start3A_95 : memref<8192x256xf32, #tpu.memory_space<hbm>>) target(%arg9 : memref<128x256xf32, #tpu.memory_space<vmem>>) offsets(%dma_start3A_92 : memref<128xi32, #tpu.memory_space<vmem>>) semaphore(%arg14 : memref<!tpu.dma_semaphore, #tpu.memory_space<semaphore_mem>>)
    %dma_wait3A_96 = arith.constant 3 : i32
    %dma_wait3A_97 = arith.constant 0 : i32
    %dma_wait3A_98 = tpu.memref_slice %arg8[%dma_wait3A_96, %dma_wait3A_97] : memref<8x128xi32, #tpu.memory_space<vmem>> -> memref<1x128xi32, #tpu.memory_space<vmem>>
    %dma_wait3A_99 = tpu.memref_squeeze %dma_wait3A_98 : memref<1x128xi32, #tpu.memory_space<vmem>> -> memref<128xi32, #tpu.memory_space<vmem>>
    %dma_wait3A_100 = arith.constant 0 : i32
    %dma_wait3A_101 = arith.constant 0 : i32
    %dma_wait3A_102 = tpu.memref_slice %arg2[%dma_wait3A_100, %dma_wait3A_101] : memref<8192x256xf32, #tpu.memory_space<hbm>> -> memref<8192x256xf32, #tpu.memory_space<hbm>>
    tpu.wait_indirect_dma semaphore(%arg15 : memref<!tpu.dma_semaphore, #tpu.memory_space<semaphore_mem>>) src(%dma_wait3A_102 : memref<8192x256xf32, #tpu.memory_space<hbm>>) dst(%arg10 : memref<128x256xf32, #tpu.memory_space<vmem>>)
    %add3A_103 = arith.constant 384 : i32
    %add3A_104 = arith.addi %mul3A_2, %add3A_103 : i32
    "tpu.region"() ({
      %run_scoped3A_168 = tpu.sem_alloc : memref<!tpu.dma_semaphore, #tpu.memory_space<semaphore_mem>>
      %dma_start3A_169 = arith.constant 0 : i32
      %dma_start3A_170 = tpu.memref_slice %arg6[%add3A_104, %dma_start3A_169] : memref<32768x256xf32, #tpu.memory_space<hbm>> -> memref<128x256xf32, #tpu.memory_space<hbm>>
      %dma_start3A_171 = arith.constant 0 : i32
      %dma_start3A_172 = tpu.memref_slice %arg6[%add3A_104, %dma_start3A_171] : memref<32768x256xf32, #tpu.memory_space<hbm>> -> memref<128x256xf32, #tpu.memory_space<hbm>>
      tpu.enqueue_dma source(%arg10 : memref<128x256xf32, #tpu.memory_space<vmem>>) target(%dma_start3A_172 : memref<128x256xf32, #tpu.memory_space<hbm>>) target_semaphore(%run_scoped3A_168 : memref<!tpu.dma_semaphore, #tpu.memory_space<semaphore_mem>>)
      %dma_wait3A_173 = arith.constant 0 : i32
      %dma_wait3A_174 = tpu.memref_slice %arg6[%add3A_104, %dma_wait3A_173] : memref<32768x256xf32, #tpu.memory_space<hbm>> -> memref<128x256xf32, #tpu.memory_space<hbm>>
      %dma_wait3A_175 = arith.constant 0 : i32
      %dma_wait3A_176 = tpu.memref_slice %arg6[%add3A_104, %dma_wait3A_175] : memref<32768x256xf32, #tpu.memory_space<hbm>> -> memref<128x256xf32, #tpu.memory_space<hbm>>
      tpu.wait_dma2 semaphore(%run_scoped3A_168 : memref<!tpu.dma_semaphore, #tpu.memory_space<semaphore_mem>>) src(%arg10 : memref<128x256xf32, #tpu.memory_space<vmem>>) dst(%dma_wait3A_176 : memref<128x256xf32, #tpu.memory_space<hbm>>)
      tpu.yield
    }) : () -> ()
    %dma_start3A_105 = arith.constant 5 : i32
    %dma_start3A_106 = arith.constant 0 : i32
    %dma_start3A_107 = tpu.memref_slice %arg8[%dma_start3A_105, %dma_start3A_106] : memref<8x128xi32, #tpu.memory_space<vmem>> -> memref<1x128xi32, #tpu.memory_space<vmem>>
    %dma_start3A_108 = tpu.memref_squeeze %dma_start3A_107 : memref<1x128xi32, #tpu.memory_space<vmem>> -> memref<128xi32, #tpu.memory_space<vmem>>
    %dma_start3A_109 = arith.constant 0 : i32
    %dma_start3A_110 = arith.constant 0 : i32
    %dma_start3A_111 = tpu.memref_slice %arg2[%dma_start3A_109, %dma_start3A_110] : memref<8192x256xf32, #tpu.memory_space<hbm>> -> memref<8192x256xf32, #tpu.memory_space<hbm>>
    tpu.enqueue_indirect_dma source(%dma_start3A_111 : memref<8192x256xf32, #tpu.memory_space<hbm>>) target(%arg10 : memref<128x256xf32, #tpu.memory_space<vmem>>) offsets(%dma_start3A_108 : memref<128xi32, #tpu.memory_space<vmem>>) semaphore(%arg15 : memref<!tpu.dma_semaphore, #tpu.memory_space<semaphore_mem>>)
    %dma_wait3A_112 = arith.constant 4 : i32
    %dma_wait3A_113 = arith.constant 0 : i32
    %dma_wait3A_114 = tpu.memref_slice %arg8[%dma_wait3A_112, %dma_wait3A_113] : memref<8x128xi32, #tpu.memory_space<vmem>> -> memref<1x128xi32, #tpu.memory_space<vmem>>
    %dma_wait3A_115 = tpu.memref_squeeze %dma_wait3A_114 : memref<1x128xi32, #tpu.memory_space<vmem>> -> memref<128xi32, #tpu.memory_space<vmem>>
    %dma_wait3A_116 = arith.constant 0 : i32
    %dma_wait3A_117 = arith.constant 0 : i32
    %dma_wait3A_118 = tpu.memref_slice %arg2[%dma_wait3A_116, %dma_wait3A_117] : memref<8192x256xf32, #tpu.memory_space<hbm>> -> memref<8192x256xf32, #tpu.memory_space<hbm>>
    tpu.wait_indirect_dma semaphore(%arg14 : memref<!tpu.dma_semaphore, #tpu.memory_space<semaphore_mem>>) src(%dma_wait3A_118 : memref<8192x256xf32, #tpu.memory_space<hbm>>) dst(%arg9 : memref<128x256xf32, #tpu.memory_space<vmem>>)
    %add3A_119 = arith.constant 512 : i32
    %add3A_120 = arith.addi %mul3A_2, %add3A_119 : i32
    "tpu.region"() ({
      %run_scoped3A_168 = tpu.sem_alloc : memref<!tpu.dma_semaphore, #tpu.memory_space<semaphore_mem>>
      %dma_start3A_169 = arith.constant 0 : i32
      %dma_start3A_170 = tpu.memref_slice %arg6[%add3A_120, %dma_start3A_169] : memref<32768x256xf32, #tpu.memory_space<hbm>> -> memref<128x256xf32, #tpu.memory_space<hbm>>
      %dma_start3A_171 = arith.constant 0 : i32
      %dma_start3A_172 = tpu.memref_slice %arg6[%add3A_120, %dma_start3A_171] : memref<32768x256xf32, #tpu.memory_space<hbm>> -> memref<128x256xf32, #tpu.memory_space<hbm>>
      tpu.enqueue_dma source(%arg9 : memref<128x256xf32, #tpu.memory_space<vmem>>) target(%dma_start3A_172 : memref<128x256xf32, #tpu.memory_space<hbm>>) target_semaphore(%run_scoped3A_168 : memref<!tpu.dma_semaphore, #tpu.memory_space<semaphore_mem>>)
      %dma_wait3A_173 = arith.constant 0 : i32
      %dma_wait3A_174 = tpu.memref_slice %arg6[%add3A_120, %dma_wait3A_173] : memref<32768x256xf32, #tpu.memory_space<hbm>> -> memref<128x256xf32, #tpu.memory_space<hbm>>
      %dma_wait3A_175 = arith.constant 0 : i32
      %dma_wait3A_176 = tpu.memref_slice %arg6[%add3A_120, %dma_wait3A_175] : memref<32768x256xf32, #tpu.memory_space<hbm>> -> memref<128x256xf32, #tpu.memory_space<hbm>>
      tpu.wait_dma2 semaphore(%run_scoped3A_168 : memref<!tpu.dma_semaphore, #tpu.memory_space<semaphore_mem>>) src(%arg9 : memref<128x256xf32, #tpu.memory_space<vmem>>) dst(%dma_wait3A_176 : memref<128x256xf32, #tpu.memory_space<hbm>>)
      tpu.yield
    }) : () -> ()
    %dma_start3A_121 = arith.constant 6 : i32
    %dma_start3A_122 = arith.constant 0 : i32
    %dma_start3A_123 = tpu.memref_slice %arg8[%dma_start3A_121, %dma_start3A_122] : memref<8x128xi32, #tpu.memory_space<vmem>> -> memref<1x128xi32, #tpu.memory_space<vmem>>
    %dma_start3A_124 = tpu.memref_squeeze %dma_start3A_123 : memref<1x128xi32, #tpu.memory_space<vmem>> -> memref<128xi32, #tpu.memory_space<vmem>>
    %dma_start3A_125 = arith.constant 0 : i32
    %dma_start3A_126 = arith.constant 0 : i32
    %dma_start3A_127 = tpu.memref_slice %arg2[%dma_start3A_125, %dma_start3A_126] : memref<8192x256xf32, #tpu.memory_space<hbm>> -> memref<8192x256xf32, #tpu.memory_space<hbm>>
    tpu.enqueue_indirect_dma source(%dma_start3A_127 : memref<8192x256xf32, #tpu.memory_space<hbm>>) target(%arg9 : memref<128x256xf32, #tpu.memory_space<vmem>>) offsets(%dma_start3A_124 : memref<128xi32, #tpu.memory_space<vmem>>) semaphore(%arg14 : memref<!tpu.dma_semaphore, #tpu.memory_space<semaphore_mem>>)
    %dma_wait3A_128 = arith.constant 5 : i32
    %dma_wait3A_129 = arith.constant 0 : i32
    %dma_wait3A_130 = tpu.memref_slice %arg8[%dma_wait3A_128, %dma_wait3A_129] : memref<8x128xi32, #tpu.memory_space<vmem>> -> memref<1x128xi32, #tpu.memory_space<vmem>>
    %dma_wait3A_131 = tpu.memref_squeeze %dma_wait3A_130 : memref<1x128xi32, #tpu.memory_space<vmem>> -> memref<128xi32, #tpu.memory_space<vmem>>
    %dma_wait3A_132 = arith.constant 0 : i32
    %dma_wait3A_133 = arith.constant 0 : i32
    %dma_wait3A_134 = tpu.memref_slice %arg2[%dma_wait3A_132, %dma_wait3A_133] : memref<8192x256xf32, #tpu.memory_space<hbm>> -> memref<8192x256xf32, #tpu.memory_space<hbm>>
    tpu.wait_indirect_dma semaphore(%arg15 : memref<!tpu.dma_semaphore, #tpu.memory_space<semaphore_mem>>) src(%dma_wait3A_134 : memref<8192x256xf32, #tpu.memory_space<hbm>>) dst(%arg10 : memref<128x256xf32, #tpu.memory_space<vmem>>)
    %add3A_135 = arith.constant 640 : i32
    %add3A_136 = arith.addi %mul3A_2, %add3A_135 : i32
    "tpu.region"() ({
      %run_scoped3A_168 = tpu.sem_alloc : memref<!tpu.dma_semaphore, #tpu.memory_space<semaphore_mem>>
      %dma_start3A_169 = arith.constant 0 : i32
      %dma_start3A_170 = tpu.memref_slice %arg6[%add3A_136, %dma_start3A_169] : memref<32768x256xf32, #tpu.memory_space<hbm>> -> memref<128x256xf32, #tpu.memory_space<hbm>>
      %dma_start3A_171 = arith.constant 0 : i32
      %dma_start3A_172 = tpu.memref_slice %arg6[%add3A_136, %dma_start3A_171] : memref<32768x256xf32, #tpu.memory_space<hbm>> -> memref<128x256xf32, #tpu.memory_space<hbm>>
      tpu.enqueue_dma source(%arg10 : memref<128x256xf32, #tpu.memory_space<vmem>>) target(%dma_start3A_172 : memref<128x256xf32, #tpu.memory_space<hbm>>) target_semaphore(%run_scoped3A_168 : memref<!tpu.dma_semaphore, #tpu.memory_space<semaphore_mem>>)
      %dma_wait3A_173 = arith.constant 0 : i32
      %dma_wait3A_174 = tpu.memref_slice %arg6[%add3A_136, %dma_wait3A_173] : memref<32768x256xf32, #tpu.memory_space<hbm>> -> memref<128x256xf32, #tpu.memory_space<hbm>>
      %dma_wait3A_175 = arith.constant 0 : i32
      %dma_wait3A_176 = tpu.memref_slice %arg6[%add3A_136, %dma_wait3A_175] : memref<32768x256xf32, #tpu.memory_space<hbm>> -> memref<128x256xf32, #tpu.memory_space<hbm>>
      tpu.wait_dma2 semaphore(%run_scoped3A_168 : memref<!tpu.dma_semaphore, #tpu.memory_space<semaphore_mem>>) src(%arg10 : memref<128x256xf32, #tpu.memory_space<vmem>>) dst(%dma_wait3A_176 : memref<128x256xf32, #tpu.memory_space<hbm>>)
      tpu.yield
    }) : () -> ()
    %dma_start3A_137 = arith.constant 7 : i32
    %dma_start3A_138 = arith.constant 0 : i32
    %dma_start3A_139 = tpu.memref_slice %arg8[%dma_start3A_137, %dma_start3A_138] : memref<8x128xi32, #tpu.memory_space<vmem>> -> memref<1x128xi32, #tpu.memory_space<vmem>>
    %dma_start3A_140 = tpu.memref_squeeze %dma_start3A_139 : memref<1x128xi32, #tpu.memory_space<vmem>> -> memref<128xi32, #tpu.memory_space<vmem>>
    %dma_start3A_141 = arith.constant 0 : i32
    %dma_start3A_142 = arith.constant 0 : i32
    %dma_start3A_143 = tpu.memref_slice %arg2[%dma_start3A_141, %dma_start3A_142] : memref<8192x256xf32, #tpu.memory_space<hbm>> -> memref<8192x256xf32, #tpu.memory_space<hbm>>
    tpu.enqueue_indirect_dma source(%dma_start3A_143 : memref<8192x256xf32, #tpu.memory_space<hbm>>) target(%arg10 : memref<128x256xf32, #tpu.memory_space<vmem>>) offsets(%dma_start3A_140 : memref<128xi32, #tpu.memory_space<vmem>>) semaphore(%arg15 : memref<!tpu.dma_semaphore, #tpu.memory_space<semaphore_mem>>)
    %dma_wait3A_144 = arith.constant 6 : i32
    %dma_wait3A_145 = arith.constant 0 : i32
    %dma_wait3A_146 = tpu.memref_slice %arg8[%dma_wait3A_144, %dma_wait3A_145] : memref<8x128xi32, #tpu.memory_space<vmem>> -> memref<1x128xi32, #tpu.memory_space<vmem>>
    %dma_wait3A_147 = tpu.memref_squeeze %dma_wait3A_146 : memref<1x128xi32, #tpu.memory_space<vmem>> -> memref<128xi32, #tpu.memory_space<vmem>>
    %dma_wait3A_148 = arith.constant 0 : i32
    %dma_wait3A_149 = arith.constant 0 : i32
    %dma_wait3A_150 = tpu.memref_slice %arg2[%dma_wait3A_148, %dma_wait3A_149] : memref<8192x256xf32, #tpu.memory_space<hbm>> -> memref<8192x256xf32, #tpu.memory_space<hbm>>
    tpu.wait_indirect_dma semaphore(%arg14 : memref<!tpu.dma_semaphore, #tpu.memory_space<semaphore_mem>>) src(%dma_wait3A_150 : memref<8192x256xf32, #tpu.memory_space<hbm>>) dst(%arg9 : memref<128x256xf32, #tpu.memory_space<vmem>>)
    %add3A_151 = arith.constant 768 : i32
    %add3A_152 = arith.addi %mul3A_2, %add3A_151 : i32
    "tpu.region"() ({
      %run_scoped3A_168 = tpu.sem_alloc : memref<!tpu.dma_semaphore, #tpu.memory_space<semaphore_mem>>
      %dma_start3A_169 = arith.constant 0 : i32
      %dma_start3A_170 = tpu.memref_slice %arg6[%add3A_152, %dma_start3A_169] : memref<32768x256xf32, #tpu.memory_space<hbm>> -> memref<128x256xf32, #tpu.memory_space<hbm>>
      %dma_start3A_171 = arith.constant 0 : i32
      %dma_start3A_172 = tpu.memref_slice %arg6[%add3A_152, %dma_start3A_171] : memref<32768x256xf32, #tpu.memory_space<hbm>> -> memref<128x256xf32, #tpu.memory_space<hbm>>
      tpu.enqueue_dma source(%arg9 : memref<128x256xf32, #tpu.memory_space<vmem>>) target(%dma_start3A_172 : memref<128x256xf32, #tpu.memory_space<hbm>>) target_semaphore(%run_scoped3A_168 : memref<!tpu.dma_semaphore, #tpu.memory_space<semaphore_mem>>)
      %dma_wait3A_173 = arith.constant 0 : i32
      %dma_wait3A_174 = tpu.memref_slice %arg6[%add3A_152, %dma_wait3A_173] : memref<32768x256xf32, #tpu.memory_space<hbm>> -> memref<128x256xf32, #tpu.memory_space<hbm>>
      %dma_wait3A_175 = arith.constant 0 : i32
      %dma_wait3A_176 = tpu.memref_slice %arg6[%add3A_152, %dma_wait3A_175] : memref<32768x256xf32, #tpu.memory_space<hbm>> -> memref<128x256xf32, #tpu.memory_space<hbm>>
      tpu.wait_dma2 semaphore(%run_scoped3A_168 : memref<!tpu.dma_semaphore, #tpu.memory_space<semaphore_mem>>) src(%arg9 : memref<128x256xf32, #tpu.memory_space<vmem>>) dst(%dma_wait3A_176 : memref<128x256xf32, #tpu.memory_space<hbm>>)
      tpu.yield
    }) : () -> ()
    %dma_wait3A_153 = arith.constant 7 : i32
    %dma_wait3A_154 = arith.constant 0 : i32
    %dma_wait3A_155 = tpu.memref_slice %arg8[%dma_wait3A_153, %dma_wait3A_154] : memref<8x128xi32, #tpu.memory_space<vmem>> -> memref<1x128xi32, #tpu.memory_space<vmem>>
    %dma_wait3A_156 = tpu.memref_squeeze %dma_wait3A_155 : memref<1x128xi32, #tpu.memory_space<vmem>> -> memref<128xi32, #tpu.memory_space<vmem>>
    %dma_wait3A_157 = arith.constant 0 : i32
    %dma_wait3A_158 = arith.constant 0 : i32
    %dma_wait3A_159 = tpu.memref_slice %arg2[%dma_wait3A_157, %dma_wait3A_158] : memref<8192x256xf32, #tpu.memory_space<hbm>> -> memref<8192x256xf32, #tpu.memory_space<hbm>>
    tpu.wait_indirect_dma semaphore(%arg15 : memref<!tpu.dma_semaphore, #tpu.memory_space<semaphore_mem>>) src(%dma_wait3A_159 : memref<8192x256xf32, #tpu.memory_space<hbm>>) dst(%arg10 : memref<128x256xf32, #tpu.memory_space<vmem>>)
    %add3A_160 = arith.constant 896 : i32
    %add3A_161 = arith.addi %mul3A_2, %add3A_160 : i32
    "tpu.region"() ({
      %run_scoped3A_168 = tpu.sem_alloc : memref<!tpu.dma_semaphore, #tpu.memory_space<semaphore_mem>>
      %dma_start3A_169 = arith.constant 0 : i32
      %dma_start3A_170 = tpu.memref_slice %arg6[%add3A_161, %dma_start3A_169] : memref<32768x256xf32, #tpu.memory_space<hbm>> -> memref<128x256xf32, #tpu.memory_space<hbm>>
      %dma_start3A_171 = arith.constant 0 : i32
      %dma_start3A_172 = tpu.memref_slice %arg6[%add3A_161, %dma_start3A_171] : memref<32768x256xf32, #tpu.memory_space<hbm>> -> memref<128x256xf32, #tpu.memory_space<hbm>>
      tpu.enqueue_dma source(%arg10 : memref<128x256xf32, #tpu.memory_space<vmem>>) target(%dma_start3A_172 : memref<128x256xf32, #tpu.memory_space<hbm>>) target_semaphore(%run_scoped3A_168 : memref<!tpu.dma_semaphore, #tpu.memory_space<semaphore_mem>>)
      %dma_wait3A_173 = arith.constant 0 : i32
      %dma_wait3A_174 = tpu.memref_slice %arg6[%add3A_161, %dma_wait3A_173] : memref<32768x256xf32, #tpu.memory_space<hbm>> -> memref<128x256xf32, #tpu.memory_space<hbm>>
      %dma_wait3A_175 = arith.constant 0 : i32
      %dma_wait3A_176 = tpu.memref_slice %arg6[%add3A_161, %dma_wait3A_175] : memref<32768x256xf32, #tpu.memory_space<hbm>> -> memref<128x256xf32, #tpu.memory_space<hbm>>
      tpu.wait_dma2 semaphore(%run_scoped3A_168 : memref<!tpu.dma_semaphore, #tpu.memory_space<semaphore_mem>>) src(%arg10 : memref<128x256xf32, #tpu.memory_space<vmem>>) dst(%dma_wait3A_176 : memref<128x256xf32, #tpu.memory_space<hbm>>)
      tpu.yield
    }) : () -> ()
    %barrier3A_162 = arith.constant 0 : index
    tpu.barrier barrier_id(%barrier3A_162)
    %eq3A_163 = arith.constant 0 : i32
    %eq3A_164 = arith.cmpi eq, %arg1, %eq3A_163 : i32
    %convert_element_type3A_165 = arith.extui %eq3A_164 : i1 to i32
    %cond3A_166 = arith.constant 0 : i32
    %cond3A_167 = arith.cmpi ne, %convert_element_type3A_165, %cond3A_166 : i32
    scf.if %cond3A_167 {
      "tpu.region"() ({
        %run_scoped3A_168 = tpu.sem_alloc : memref<!tpu.dma_semaphore, #tpu.memory_space<semaphore_mem>>
        tpu.enqueue_dma source(%arg13 : memref<8192xi32, #tpu.memory_space<vmem_shared>>) target(%arg12 : memref<8192xi32, #tpu.memory_space<vmem>>) target_semaphore(%run_scoped3A_168 : memref<!tpu.dma_semaphore, #tpu.memory_space<semaphore_mem>>)
        tpu.wait_dma2 semaphore(%run_scoped3A_168 : memref<!tpu.dma_semaphore, #tpu.memory_space<semaphore_mem>>) src(%arg13 : memref<8192xi32, #tpu.memory_space<vmem_shared>>) dst(%arg12 : memref<8192xi32, #tpu.memory_space<vmem>>)
        tpu.yield
      }) : () -> ()
      "tpu.region"() ({
        %run_scoped3A_168 = tpu.sem_alloc : memref<!tpu.dma_semaphore, #tpu.memory_space<semaphore_mem>>
        %dma_start3A_169 = arith.constant 0 : i32
        %dma_start3A_170 = tpu.memref_slice %arg7[%arg0, %dma_start3A_169] : memref<2x8192xi32, #tpu.memory_space<hbm>> -> memref<1x8192xi32, #tpu.memory_space<hbm>>
        %dma_start3A_171 = tpu.memref_squeeze %dma_start3A_170 : memref<1x8192xi32, #tpu.memory_space<hbm>> -> memref<8192xi32, #tpu.memory_space<hbm>>
        %dma_start3A_172 = arith.constant 0 : i32
        %dma_start3A_173 = tpu.memref_slice %arg7[%arg0, %dma_start3A_172] : memref<2x8192xi32, #tpu.memory_space<hbm>> -> memref<1x8192xi32, #tpu.memory_space<hbm>>
        %dma_start3A_174 = tpu.memref_squeeze %dma_start3A_173 : memref<1x8192xi32, #tpu.memory_space<hbm>> -> memref<8192xi32, #tpu.memory_space<hbm>>
        tpu.enqueue_dma source(%arg12 : memref<8192xi32, #tpu.memory_space<vmem>>) target(%dma_start3A_174 : memref<8192xi32, #tpu.memory_space<hbm>>) target_semaphore(%run_scoped3A_168 : memref<!tpu.dma_semaphore, #tpu.memory_space<semaphore_mem>>)
        %dma_wait3A_175 = arith.constant 0 : i32
        %dma_wait3A_176 = tpu.memref_slice %arg7[%arg0, %dma_wait3A_175] : memref<2x8192xi32, #tpu.memory_space<hbm>> -> memref<1x8192xi32, #tpu.memory_space<hbm>>
        %dma_wait3A_177 = tpu.memref_squeeze %dma_wait3A_176 : memref<1x8192xi32, #tpu.memory_space<hbm>> -> memref<8192xi32, #tpu.memory_space<hbm>>
        %dma_wait3A_178 = arith.constant 0 : i32
        %dma_wait3A_179 = tpu.memref_slice %arg7[%arg0, %dma_wait3A_178] : memref<2x8192xi32, #tpu.memory_space<hbm>> -> memref<1x8192xi32, #tpu.memory_space<hbm>>
        %dma_wait3A_180 = tpu.memref_squeeze %dma_wait3A_179 : memref<1x8192xi32, #tpu.memory_space<hbm>> -> memref<8192xi32, #tpu.memory_space<hbm>>
        tpu.wait_dma2 semaphore(%run_scoped3A_168 : memref<!tpu.dma_semaphore, #tpu.memory_space<semaphore_mem>>) src(%arg12 : memref<8192xi32, #tpu.memory_space<vmem>>) dst(%dma_wait3A_180 : memref<8192xi32, #tpu.memory_space<hbm>>)
        tpu.yield
      }) : () -> ()
    } else {
    }
    return
  }
}

module attributes {stable_mosaic.version = 14 : i64} {
  func.func @_argmin_body(%arg0: i32, %arg1: memref<512x256xf32, #tpu.memory_space<vmem>>, %arg2: memref<8192x256xf32, #tpu.memory_space<vmem>>, %arg3: memref<1x8192xf32, #tpu.memory_space<vmem>>, %arg4: memref<512xi32, #tpu.memory_space<vmem>>, %arg5: memref<128xf32, #tpu.memory_space<vmem>>) attributes {dimension_semantics = [#tpu.dimension_semantics<parallel>], iteration_bounds = array<i64: 64>, scalar_prefetch = 0 : i64, scratch_operands = 0 : i64, tpu.core_type = #tpu.core_type<tc>, window_params = [{transform_indices = @transform_0, window_bounds = array<i64: 512, 256>}, {pipeline_mode = #tpu.pipeline_mode<synchronous>, transform_indices = @transform_1, window_bounds = array<i64: 8192, 256>}, {pipeline_mode = #tpu.pipeline_mode<synchronous>, transform_indices = @transform_2, window_bounds = array<i64: 1, 8192>}, {transform_indices = @transform_3, window_bounds = array<i64: 512>}, {transform_indices = @transform_4, window_bounds = array<i64: 128>}]} {
    %get3A = arith.constant 0 : index
    %get3A_0 = arith.constant 0 : index
    %get3A_1 = vector.load %arg1[%get3A, %get3A_0] : memref<512x256xf32, #tpu.memory_space<vmem>>, vector<512x256xf32>
    %get3A_2 = arith.constant 0 : index
    %get3A_3 = arith.constant 0 : index
    %get3A_4 = vector.load %arg2[%get3A_2, %get3A_3] : memref<8192x256xf32, #tpu.memory_space<vmem>>, vector<8192x256xf32>
    %dot_general3A = arith.constant dense<0.000000e+00> : vector<512x8192xf32>
    %dot_general3A_5 = tpu.matmul %get3A_1, %get3A_4, %dot_general3A {dimension_numbers = #tpu.dot_dimension_numbers<[1], [1], [0], [0], [0, 0, 1, 0], [], []>, transpose_lhs_hint = false} : vector<512x256xf32>, vector<8192x256xf32>, vector<512x8192xf32> -> vector<512x8192xf32>
    %mul3A = arith.mulf %get3A_1, %get3A_1 : vector<512x256xf32>
    %reduce_sum3A = arith.constant dense<0.000000e+00> : vector<512xf32>
    %reduce_sum3A_6 = vector.multi_reduction <add>, %mul3A, %reduce_sum3A [1] : vector<512x256xf32> to vector<512xf32>
    %broadcast_in_dim3A = vector.shape_cast %reduce_sum3A_6 : vector<512xf32> to vector<512x1xf32>
    %sub3A = vector.broadcast %broadcast_in_dim3A : vector<512x1xf32> to vector<512x8192xf32>
    %sub3A_7 = arith.subf %sub3A, %dot_general3A_5 : vector<512x8192xf32>
    %get3A_8 = arith.constant 0 : index
    %get3A_9 = arith.constant 0 : index
    %get3A_10 = vector.load %arg3[%get3A_8, %get3A_9] : memref<1x8192xf32, #tpu.memory_space<vmem>>, vector<1x8192xf32>
    %add3A = vector.broadcast %get3A_10 : vector<1x8192xf32> to vector<512x8192xf32>
    %add3A_11 = arith.addf %sub3A_7, %add3A : vector<512x8192xf32>
    %reduce_min3A = arith.constant dense<0x7F800000> : vector<512xf32>
    %reduce_min3A_12 = vector.multi_reduction <minimumf>, %add3A_11, %reduce_min3A [1] : vector<512x8192xf32> to vector<512xf32>
    %broadcast_in_dim3A_13 = vector.shape_cast %reduce_min3A_12 : vector<512xf32> to vector<512x1xf32>
    %argmin3A = tpu.reduce_index %add3A_11 {axis = 1 : i32, kind = #tpu.reduction_kind<arg_min>} : vector<512x8192xf32> -> vector<512xi32>
    %swap3A = arith.constant 0 : index
    %swap3A_14 = vector.load %arg4[%swap3A] : memref<512xi32, #tpu.memory_space<vmem>>, vector<512xi32>
    tpu.vector_store %arg4[%swap3A], %argmin3A {strides = array<i32>} : memref<512xi32, #tpu.memory_space<vmem>>, vector<512xi32>,
    %reduce_sum3A_15 = vector.shape_cast %broadcast_in_dim3A_13 : vector<512x1xf32> to vector<1x512x1xf32>
    %reduce_sum3A_16 = arith.constant dense<0.000000e+00> : vector<1xf32>
    %reduce_sum3A_17 = vector.multi_reduction <add>, %reduce_sum3A_15, %reduce_sum3A_16 [1, 2] : vector<1x512x1xf32> to vector<1xf32>
    %reduce_sum3A_18 = vector.shape_cast %reduce_sum3A_17 : vector<1xf32> to vector<1x1x1xf32>
    %reduce_sum3A_19 = vector.extract %reduce_sum3A_18[0, 0, 0] : f32 from vector<1x1x1xf32>
    %broadcast_in_dim3A_20 = vector.broadcast %reduce_sum3A_19 : f32 to vector<128xf32>
    %swap3A_21 = arith.constant 0 : index
    %swap3A_22 = vector.load %arg5[%swap3A_21] : memref<128xf32, #tpu.memory_space<vmem>>, vector<128xf32>
    tpu.vector_store %arg5[%swap3A_21], %broadcast_in_dim3A_20 {strides = array<i32>} : memref<128xf32, #tpu.memory_space<vmem>>, vector<128xf32>,
    return
  }
  func.func @transform_0(%arg0: i32) -> (i32, i32) {
    %c0_i32 = arith.constant 0 : i32
    %c0_i32_0 = arith.constant 0 : i32
    return %arg0, %c0_i32 : i32, i32
  }
  func.func @transform_1(%arg0: i32) -> (i32, i32) {
    %c0_i32 = arith.constant 0 : i32
    %c0_i32_0 = arith.constant 0 : i32
    %c0_i32_1 = arith.constant 0 : i32
    return %c0_i32, %c0_i32_0 : i32, i32
  }
  func.func @transform_2(%arg0: i32) -> (i32, i32) {
    %c0_i32 = arith.constant 0 : i32
    %c0_i32_0 = arith.constant 0 : i32
    %c0_i32_1 = arith.constant 0 : i32
    return %c0_i32, %c0_i32_0 : i32, i32
  }
  func.func @transform_3(%arg0: i32) -> i32 {
    %c0_i32 = arith.constant 0 : i32
    return %arg0 : i32
  }
  func.func @transform_4(%arg0: i32) -> i32 {
    %c0_i32 = arith.constant 0 : i32
    return %arg0 : i32
  }
}

module attributes {stable_mosaic.version = 14 : i64} {
  func.func @_codebook_body(%arg0: memref<8192x256xf32, #tpu.memory_space<vmem>>, %arg1: memref<256x256xf32, #tpu.memory_space<vmem>>, %arg2: memref<8192x256xf32, #tpu.memory_space<vmem>>, %arg3: memref<8192x256xf32, #tpu.memory_space<vmem>>, %arg4: memref<8192x1xf32, #tpu.memory_space<vmem>>) attributes {dimension_semantics = [], scalar_prefetch = 0 : i64, scratch_operands = 0 : i64, tpu.core_type = #tpu.core_type<tc>} {
    %get3A = arith.constant 0 : index
    %get3A_0 = arith.constant 0 : index
    %get3A_1 = vector.load %arg0[%get3A, %get3A_0] : memref<8192x256xf32, #tpu.memory_space<vmem>>, vector<8192x256xf32>
    %get3A_2 = arith.constant 0 : index
    %get3A_3 = arith.constant 0 : index
    %get3A_4 = vector.load %arg1[%get3A_2, %get3A_3] : memref<256x256xf32, #tpu.memory_space<vmem>>, vector<256x256xf32>
    %dot_general3A = arith.constant dense<0.000000e+00> : vector<8192x256xf32>
    %dot_general3A_5 = tpu.matmul %get3A_1, %get3A_4, %dot_general3A {dimension_numbers = #tpu.dot_dimension_numbers<[1], [1], [0], [0], [0, 0, 1, 0], [], []>, transpose_lhs_hint = false} : vector<8192x256xf32>, vector<256x256xf32>, vector<8192x256xf32> -> vector<8192x256xf32>
    %mul3A = arith.mulf %dot_general3A_5, %dot_general3A_5 : vector<8192x256xf32>
    %reduce_sum3A = arith.constant dense<0.000000e+00> : vector<8192xf32>
    %reduce_sum3A_6 = vector.multi_reduction <add>, %mul3A, %reduce_sum3A [1] : vector<8192x256xf32> to vector<8192xf32>
    %broadcast_in_dim3A = vector.shape_cast %reduce_sum3A_6 : vector<8192xf32> to vector<8192x1xf32>
    %sqrt3A = math.sqrt %broadcast_in_dim3A : vector<8192x1xf32>
    %jit3A = arith.constant 9.99999996E-13 : f32
    %max3A = vector.broadcast %jit3A : f32 to vector<8192x1xf32>
    %max3A_7 = arith.maximumf %max3A, %sqrt3A : vector<8192x1xf32>
    %div3A = vector.broadcast %max3A_7 : vector<8192x1xf32> to vector<8192x256xf32>
    %div3A_8 = arith.divf %dot_general3A_5, %div3A : vector<8192x256xf32>
    %mul3A_9 = arith.constant 1.600000e+01 : f32
    %mul3A_10 = vector.broadcast %mul3A_9 : f32 to vector<8192x256xf32>
    %mul3A_11 = arith.mulf %div3A_8, %mul3A_10 : vector<8192x256xf32>
    %swap3A = arith.constant 0 : index
    %swap3A_12 = arith.constant 0 : index
    %swap3A_13 = vector.load %arg2[%swap3A, %swap3A_12] : memref<8192x256xf32, #tpu.memory_space<vmem>>, vector<8192x256xf32>
    tpu.vector_store %arg2[%swap3A, %swap3A_12], %mul3A_11 {strides = array<i32>} : memref<8192x256xf32, #tpu.memory_space<vmem>>, vector<8192x256xf32>,
    %add3A = arith.addf %mul3A_11, %mul3A_11 : vector<8192x256xf32>
    %swap3A_14 = arith.constant 0 : index
    %swap3A_15 = arith.constant 0 : index
    %swap3A_16 = vector.load %arg3[%swap3A_14, %swap3A_15] : memref<8192x256xf32, #tpu.memory_space<vmem>>, vector<8192x256xf32>
    tpu.vector_store %arg3[%swap3A_14, %swap3A_15], %add3A {strides = array<i32>} : memref<8192x256xf32, #tpu.memory_space<vmem>>, vector<8192x256xf32>,
    %mul3A_17 = arith.mulf %mul3A_11, %mul3A_11 : vector<8192x256xf32>
    %reduce_sum3A_18 = arith.constant dense<0.000000e+00> : vector<8192xf32>
    %reduce_sum3A_19 = vector.multi_reduction <add>, %mul3A_17, %reduce_sum3A_18 [1] : vector<8192x256xf32> to vector<8192xf32>
    %broadcast_in_dim3A_20 = vector.shape_cast %reduce_sum3A_19 : vector<8192xf32> to vector<8192x1xf32>
    %swap3A_21 = arith.constant 0 : index
    %swap3A_22 = arith.constant 0 : index
    %swap3A_23 = vector.load %arg4[%swap3A_21, %swap3A_22] : memref<8192x1xf32, #tpu.memory_space<vmem>>, vector<8192x1xf32>
    tpu.vector_store %arg4[%swap3A_21, %swap3A_22], %broadcast_in_dim3A_20 {strides = array<i32>} : memref<8192x1xf32, #tpu.memory_space<vmem>>, vector<8192x1xf32>,
    return
  }
}

module attributes {stable_mosaic.version = 14 : i64} {
  func.func @_finalize_body(%arg0: memref<2x8192xi32, #tpu.memory_space<vmem>>, %arg1: memref<64x128xf32, #tpu.memory_space<vmem>>, %arg2: memref<1x1xf32, #tpu.memory_space<vmem>>, %arg3: memref<1x1xf32, #tpu.memory_space<vmem>>, %arg4: memref<1x1xf32, #tpu.memory_space<vmem>>) attributes {dimension_semantics = [], scalar_prefetch = 0 : i64, scratch_operands = 0 : i64, tpu.core_type = #tpu.core_type<tc>} {
    %get3A = arith.constant 0 : index
    %get3A_0 = arith.constant 0 : index
    %get3A_1 = vector.load %arg0[%get3A, %get3A_0] : memref<2x8192xi32, #tpu.memory_space<vmem>>, vector<2x8192xi32>
    %slice3A = vector.extract_strided_slice %get3A_1 {offsets = [0, 0], sizes = [1, 8192], strides = [1, 1]} : vector<2x8192xi32> to vector<1x8192xi32>
    %slice3A_2 = vector.extract_strided_slice %get3A_1 {offsets = [1, 0], sizes = [1, 8192], strides = [1, 1]} : vector<2x8192xi32> to vector<1x8192xi32>
    %add3A = arith.addi %slice3A, %slice3A_2 : vector<1x8192xi32>
    %convert_element_type3A = arith.sitofp %add3A : vector<1x8192xi32> to vector<1x8192xf32>
    %div3A = arith.constant 3.276800e+04 : f32
    %div3A_3 = vector.broadcast %div3A : f32 to vector<1x8192xf32>
    %div3A_4 = arith.divf %convert_element_type3A, %div3A_3 : vector<1x8192xf32>
    %add3A_5 = arith.constant 1.000000e-10 : f32
    %add3A_6 = vector.broadcast %add3A_5 : f32 to vector<1x8192xf32>
    %add3A_7 = arith.addf %div3A_4, %add3A_6 : vector<1x8192xf32>
    %log3A = math.log %add3A_7 : vector<1x8192xf32>
    %mul3A = arith.mulf %div3A_4, %log3A : vector<1x8192xf32>
    %reduce_sum3A = vector.shape_cast %mul3A : vector<1x8192xf32> to vector<1x1x8192xf32>
    %reduce_sum3A_8 = arith.constant dense<0.000000e+00> : vector<1xf32>
    %reduce_sum3A_9 = vector.multi_reduction <add>, %reduce_sum3A, %reduce_sum3A_8 [1, 2] : vector<1x1x8192xf32> to vector<1xf32>
    %reduce_sum3A_10 = vector.shape_cast %reduce_sum3A_9 : vector<1xf32> to vector<1x1x1xf32>
    %reduce_sum3A_11 = vector.extract %reduce_sum3A_10[0, 0, 0] : f32 from vector<1x1x1xf32>
    %broadcast_in_dim3A = vector.broadcast %reduce_sum3A_11 : f32 to vector<1x1xf32>
    %neg3A = arith.constant 0.000000e+00 : f32
    %neg3A_12 = vector.broadcast %neg3A : f32 to vector<1x1xf32>
    %neg3A_13 = arith.subf %neg3A_12, %broadcast_in_dim3A : vector<1x1xf32>
    %exp3A = math.exp %neg3A_13 : vector<1x1xf32>
    %swap3A = arith.constant 0 : index
    %swap3A_14 = arith.constant 0 : index
    %swap3A_15 = vector.load %arg3[%swap3A, %swap3A_14] : memref<1x1xf32, #tpu.memory_space<vmem>>, vector<1x1xf32>
    tpu.vector_store %arg3[%swap3A, %swap3A_14], %exp3A {strides = array<i32>} : memref<1x1xf32, #tpu.memory_space<vmem>>, vector<1x1xf32>,
    %gt3A = arith.constant 0 : i32
    %gt3A_16 = vector.broadcast %gt3A : i32 to vector<1x8192xi32>
    %gt3A_17 = arith.cmpi sgt, %add3A, %gt3A_16 : vector<1x8192xi32>
    %convert_element_type3A_18 = arith.extui %gt3A_17 : vector<1x8192xi1> to vector<1x8192xi32>
    %convert_element_type3A_19 = arith.sitofp %convert_element_type3A_18 : vector<1x8192xi32> to vector<1x8192xf32>
    %reduce_sum3A_20 = vector.shape_cast %convert_element_type3A_19 : vector<1x8192xf32> to vector<1x1x8192xf32>
    %reduce_sum3A_21 = arith.constant dense<0.000000e+00> : vector<1xf32>
    %reduce_sum3A_22 = vector.multi_reduction <add>, %reduce_sum3A_20, %reduce_sum3A_21 [1, 2] : vector<1x1x8192xf32> to vector<1xf32>
    %reduce_sum3A_23 = vector.shape_cast %reduce_sum3A_22 : vector<1xf32> to vector<1x1x1xf32>
    %reduce_sum3A_24 = vector.extract %reduce_sum3A_23[0, 0, 0] : f32 from vector<1x1x1xf32>
    %broadcast_in_dim3A_25 = vector.broadcast %reduce_sum3A_24 : f32 to vector<1x1xf32>
    %div3A_26 = arith.constant 8.192000e+03 : f32
    %div3A_27 = vector.broadcast %div3A_26 : f32 to vector<1x1xf32>
    %div3A_28 = arith.divf %broadcast_in_dim3A_25, %div3A_27 : vector<1x1xf32>
    %swap3A_29 = arith.constant 0 : index
    %swap3A_30 = arith.constant 0 : index
    %swap3A_31 = vector.load %arg4[%swap3A_29, %swap3A_30] : memref<1x1xf32, #tpu.memory_space<vmem>>, vector<1x1xf32>
    tpu.vector_store %arg4[%swap3A_29, %swap3A_30], %div3A_28 {strides = array<i32>} : memref<1x1xf32, #tpu.memory_space<vmem>>, vector<1x1xf32>,
    %get3A_32 = arith.constant 0 : index
    %get3A_33 = arith.constant 0 : index
    %get3A_34 = vector.load %arg1[%get3A_32, %get3A_33] : memref<64x128xf32, #tpu.memory_space<vmem>>, vector<64x1xf32>
    %reduce_sum3A_35 = vector.shape_cast %get3A_34 : vector<64x1xf32> to vector<1x64x1xf32>
    %reduce_sum3A_36 = arith.constant dense<0.000000e+00> : vector<1xf32>
    %reduce_sum3A_37 = vector.multi_reduction <add>, %reduce_sum3A_35, %reduce_sum3A_36 [1, 2] : vector<1x64x1xf32> to vector<1xf32>
    %reduce_sum3A_38 = vector.shape_cast %reduce_sum3A_37 : vector<1xf32> to vector<1x1x1xf32>
    %reduce_sum3A_39 = vector.extract %reduce_sum3A_38[0, 0, 0] : f32 from vector<1x1x1xf32>
    %broadcast_in_dim3A_40 = vector.broadcast %reduce_sum3A_39 : f32 to vector<1x1xf32>
    %div3A_41 = arith.constant 0x4B000000 : f32
    %div3A_42 = vector.broadcast %div3A_41 : f32 to vector<1x1xf32>
    %div3A_43 = arith.divf %broadcast_in_dim3A_40, %div3A_42 : vector<1x1xf32>
    %mul3A_44 = arith.constant 2.500000e-01 : f32
    %mul3A_45 = vector.broadcast %mul3A_44 : f32 to vector<1x1xf32>
    %mul3A_46 = arith.mulf %mul3A_45, %div3A_43 : vector<1x1xf32>
    %add3A_47 = arith.addf %div3A_43, %mul3A_46 : vector<1x1xf32>
    %swap3A_48 = arith.constant 0 : index
    %swap3A_49 = arith.constant 0 : index
    %swap3A_50 = vector.load %arg2[%swap3A_48, %swap3A_49] : memref<1x1xf32, #tpu.memory_space<vmem>>, vector<1x1xf32>
    tpu.vector_store %arg2[%swap3A_48, %swap3A_49], %add3A_47 {strides = array<i32>} : memref<1x1xf32, #tpu.memory_space<vmem>>, vector<1x1xf32>,
    return
  }
}

</mosaic_0001>

<sc_bundles>
// kernel: kernel.6.cloned.1.call-start
scs
__scs_entry_jumppad:
0x0: {  	(pc) =	sbr.rel $0x88, $3  }
0x1: {  	(tag) =	ssettag $0x0;
	lr =	simm.s32 $0x1  }
0x2: {  	[smem:$0x3F9E] =	sst lr;
	_ =	strace $0xD0000000  }
0x3: {  	_ = 	snop  }
0x4: {  	_ = 	snop  }
0x5: {  	_ = 	snop  }
0x6: {  	_ = 	snop  }
0x7: {  	_ = 	snop  }
__scs_overlays_trampoline_lowered:
0x8: {  	[smem:$0x3FAD] =	sst s0  }
0x9: {  	[smem:$0x3FAE] =	sst s1  }
0xa: {  	[smem:$0x3FAF] =	sst s2  }
0xb: {  	[smem:$0x3FB0] =	sst s3  }
0xc: {  	[smem:$0x3FB1] =	sst s4  }
0xd: {  	[smem:$0x3FB2] =	sst s5  }
0xe: {  	[smem:$0x3FB3] =	sst s6  }
0xf: {  	[smem:$0x3FB4] =	sst s7  }
0x10: {  	[smem:$0x3FB5] =	sst s8  }
0x11: {  	[smem:$0x3FB6] =	sst s9;
	s0 =	simm.s32 @!p0 $0x0  }
0x12: {  	s1 =	sld [smem:$0x3F9C];
	s0 =	simm.s32 @p0 $0x1  }
0x13: {  	[smem:$0x3FB7] =	sst s0;
	s0 =	simm.s32 @!p1 $0x0  }
0x14: {  	s2 =	sld [smem:$0x3F9B];
	s0 =	simm.s32 @p1 $0x1  }
0x15: {  	[smem:$0x3FB8] =	sst s0;
	s0 =	simm.s32 @!p2 $0x0  }
0x16: {  	s3 =	sld [smem:$0x3FDB];
	s0 =	simm.s32 @p2 $0x1  }
0x17: {  	s4 =	simm.s32 $0x1BF5;
	[smem:$0x3FBA] =	sst s0  }
0x18: {  	s0 =	sld [smem:$0x3F9D];
	_ =	swait.ge [sflag:s4], $0x0  }
0x19: {  	s7 =	sld [smem:$0x3F9E]  }
0x1a: {  	s8 =	sadd.s32 $0xFFFFE003, lr  }
0x1b: {  	s9 =	sadd.s32 $0xFFFFFEF7, lr;
	s5 =	simm.s32 $0xFFFFFFFF;
	p2 =	slt.u32 s8, $0xFFFFF086  }
0x1c: {  	p1 =	slt.u32 s9, $0xF7A;
	s5 =	simm.s32 @!p2 $0x0  }
0x1d: {  	s5 =	simm.s32 @p1 $0x1;
	p0 =	seq.s32 s7, s2  }
0x1e: {  	s7 =	smul.u32 @!p0 $0xF7A, s2;
	p2 =	seq.s32 @!p0 s5, $0x0  }
0x1f: {  	s9 =	smul.u32 $0xF7A, s1;
	s8 =	simm.s32 @!p0 $0x1BF5;
	p2 =	por !p2, p0  }
0x20: {  	[sflag:s8] =	ssyncset.s32 @!p0 $0xFFFFF086;
	s6 =	sadd.s32 @!p0 s3, s7;
	s7 =	simm.s32 @!p0 $0x108  }
0x21: {  	s3 =	sadd.s32 s3, s9;
	s6 =	sadd.s32 @!p0 $0x88, s6;
	s7 =	simm.s32 @p2 $0x1082  }
0x22: {  	[simem:s7], [sflag:s8] =	dma.local @!p0 [hbm:s6], $0xF7A  }
0x23: {  	s9 =	sor.u32 $0xD0000000, s2;
	s6 =	simm.s32 $0x108;
	_ =	swait.ge @!p0 [sflag:s8], $0x0  }
0x24: {  	s3 =	sadd.s32 $0x88, s3;
	s6 =	simm.s32 @!p1 $0x1082;
	[sflag:s4] =	ssyncset.s32 $0xFFFFF086  }
0x25: {  	[simem:s6], [sflag:s4] =	dma.local [hbm:s3], $0xF7A  }
0x26: {  	[smem:$0x3F9E] =	sst s1;
	(tag) =	ssettag s2;
	_ =	strace s9  }
0x27: {  	s1 =	sld [smem:$0x3FAE]  }
0x28: {  	s2 =	sld [smem:$0x3FAF]  }
0x29: {  	s4 =	sld [smem:$0x3FB1]  }
0x2a: {  	p0 =	seq.s32 s5, $0x0;
	s5 =	sld [smem:$0x3FB2]  }
0x2b: {  	s6 =	sld [smem:$0x3FB3]  }
0x2c: {  	s7 =	sld [smem:$0x3FB4]  }
0x2d: {  	s3 =	simm.s32 $0x108;
	s8 =	sld [smem:$0x3FB5]  }
0x2e: {  	s3 =	simm.s32 @!p0 $0x1082;
	s9 =	sld [smem:$0x3FB6]  }
0x2f: {  	lr =	sadd.s32 s0, s3;
	s0 =	sld [smem:$0x3FAD]  }
0x30: {  	s3 =	sld [smem:$0x3FB0]  }
0x31: {  	[smem:$0x3FB9] =	sst s10  }
0x32: {  	s10 =	sld [smem:$0x3FB7];
	_ =	sdelay $0x3  }
0x33: {  	p0 =	seq.s32 s10, $0x1;
	s10 =	sld [smem:$0x3FB9];
	_ =	sdelay $0x3  }
0x34: {  	[smem:$0x3FB9] =	sst s10  }
0x35: {  	s10 =	sld [smem:$0x3FB8];
	_ =	sdelay $0x3  }
0x36: {  	p1 =	seq.s32 s10, $0x1;
	s10 =	sld [smem:$0x3FB9];
	_ =	sdelay $0x3  }
0x37: {  	[smem:$0x3FB9] =	sst s10  }
0x38: {  	s10 =	sld [smem:$0x3FBA]  }
0x39: {  	_ = 	snop;
	(pc) =	sbr.ind lr, $3  }
0x3a: {  	_ = 	snop  }
0x3b: {  	_ = 	snop  }
0x3c: {  	p2 =	seq.s32 s10, $0x1;
	s10 =	sld [smem:$0x3FB9]  }
0x3d: {  	_ =	shalt  }
0x3e: {  	_ =	shalt  }
0x3f: {  	_ =	shalt  }
0x40: {  	_ =	shalt  }
0x41: {  	_ =	shalt  }
0x42: {  	_ =	shalt  }
0x43: {  	_ =	shalt  }
0x44: {  	_ =	shalt  }
0x45: {  	_ =	shalt  }
0x46: {  	_ =	shalt  }
0x47: {  	_ =	shalt  }
0x48: {  	_ =	shalt  }
0x49: {  	_ =	shalt  }
0x4a: {  	_ =	shalt  }
0x4b: {  	_ =	shalt  }
0x4c: {  	_ =	shalt  }
0x4d: {  	_ =	shalt  }
0x4e: {  	_ =	shalt  }
0x4f: {  	_ =	shalt  }
0x50: {  	_ =	shalt  }
0x51: {  	_ =	shalt  }
0x52: {  	_ =	shalt  }
0x53: {  	_ =	shalt  }
0x54: {  	_ =	shalt  }
0x55: {  	_ =	shalt  }
0x56: {  	_ =	shalt  }
0x57: {  	_ =	shalt  }
0x58: {  	_ =	shalt  }
0x59: {  	_ =	shalt  }
0x5a: {  	_ =	shalt  }
0x5b: {  	_ =	shalt  }
0x5c: {  	_ =	shalt  }
0x5d: {  	_ =	shalt  }
0x5e: {  	_ =	shalt  }
0x5f: {  	_ =	shalt  }
0x60: {  	_ =	shalt  }
0x61: {  	_ =	shalt  }
0x62: {  	_ =	shalt  }
0x63: {  	_ =	shalt  }
0x64: {  	_ =	shalt  }
0x65: {  	_ =	shalt  }
0x66: {  	_ =	shalt  }
0x67: {  	_ =	shalt  }
0x68: {  	_ =	shalt  }
0x69: {  	_ =	shalt  }
0x6a: {  	_ =	shalt  }
0x6b: {  	_ =	shalt  }
0x6c: {  	_ =	shalt  }
0x6d: {  	_ =	shalt  }
0x6e: {  	_ =	shalt  }
0x6f: {  	_ =	shalt  }
0x70: {  	_ =	shalt  }
0x71: {  	_ =	shalt  }
0x72: {  	_ =	shalt  }
0x73: {  	_ =	shalt  }
0x74: {  	_ =	shalt  }
0x75: {  	_ =	shalt  }
0x76: {  	_ =	shalt  }
0x77: {  	_ =	shalt  }
0x78: {  	_ =	shalt  }
0x79: {  	_ =	shalt  }
0x7a: {  	_ =	shalt  }
0x7b: {  	_ =	shalt  }
0x7c: {  	_ =	shalt  }
0x7d: {  	_ =	shalt  }
0x7e: {  	_ =	shalt  }
0x7f: {  	_ =	shalt  }
0x80: {  	_ =	shalt  }
0x81: {  	_ =	shalt  }
0x82: {  	_ =	shalt  }
0x83: {  	_ =	shalt  }
0x84: {  	_ =	shalt  }
0x85: {  	_ =	shalt  }
0x86: {  	_ =	shalt  }
0x87: {  	_ =	shalt  }
.Lfunc_end0:
.L_simem_size_0:
called_computation_lowered:
.L_overlay_start_0:
0x88: {  	s2 =	sld [smem:$0x3FD9]  }
0x89: {  	s3 =	sld [smem:$0x3FFE];
	_ =	sdelay $0x1  }
0x8a: {  	s1 =	srdreg.scid  }
0x8b: {  	s0 =	sand.u32 $0x1, s1  }
0x8c: {  	s14 =	sshll.u32 s0, $0xA;
	s2 =	sadd.s32 s3, s2  }
0x8d: {  	s2 =	sadd.s32 s2, s14  }
0x8e: {  	[smem:$0x3FC5] =	sst s2  }
0x8f: {  	_ = 	snop  }
0x90: {  	s2 =	sld [smem:$0x3FD0];
	_ =	sdelay $0x2  }
0x91: {  	s15 =	simm.s32 $0xA;
	s4 =	simm.s32 $0x10  }
0x92: {  	[smem:s4], [sflag:s15] =	dma.local [hbm:s2], $0x1  }
0x93: {  	_ =	swait.eq [sflag:s15], $0x1  }
0x94: {  	[sflag:s15] =	ssyncset.done $0x0  }
0x95: {  	s16 =	sld [smem:$0x10];
	[sflag:s15] =	ssyncadd.s32 $0xFFFFFFFF  }
0x96: {  	s17 =	sld [smem:$0x14];
	(tm) =	ssettm $0x1  }
0x97: {  	s18 =	sld [smem:$0x3FFB];
	_ =	sdelay $0x3  }
0x98: {  	_ =	strace s18  }
0x99: {  	s4 =	sld [smem:$0x3FFC];
	_ =	sdelay $0x3  }
0x9a: {  	_ =	strace s4  }
0x9b: {  	s4 =	sld [smem:$0x3FFD];
	_ =	sdelay $0x3  }
0x9c: {  	_ =	strace s4  }
0x9d: {  	_ =	strace $0x8FFFFFFF  }
0x9e: {  	s19 =	sld [smem:$0x3FDB];
	_ =	sdelay $0x1  }
0x9f: {  	s5 =	simm.s32 $_scs_section_size  }
0xa0: {  	s6 =	simm.s32 $_size__tile_overlayer_lowered;
	s7 =	simm.s32 $_tile_overlayer_lowered  }
0xa1: {  	s22 =	simm.s32 $0x1BFF;
	s21 =	sshll.u32 s7, $0x1;
	s4 =	sadd.s32 s5, s19  }
0xa2: {  	s8 =	simm.s32 $0x0;
	s20 =	sshll.u32 s6, $0x1;
	s6 =	sadd.s32 s21, s4  }
0xa3: {  	[timem:s8], [sflag:s22] =	dma.local [hbm:s6], s20  }
0xa4: {  	_ =	swait.ge [sflag:s22], s20  }
0xa5: {  	s5 =	ssub.s32 $0x0, s20;
	[sflag:s22] =	ssyncset.done $0x0  }
0xa6: {  	[sflag:s22] =	ssyncadd.s32 s5;
	_ =	sdelay $0x1  }
0xa7: {  	s23 =	simm.s32 $0x1B8B  }
0xa8: {  	_ =	swait.ge [sflag:s23], $0x1  }
0xa9: {  	[sflag:s23] =	ssyncset.done $0x0  }
0xaa: {  	s25 =	simm.s32 $0x1B8E;
	s24 =	sld [smem:$0x3FFE];
	[sflag:s23] =	ssyncadd.s32 $0xFFFFFFFF  }
0xab: {  	s26 =	simm.s32 $execute0_lowered;
	[smem:$0x3FD2] =	sst s25  }
0xac: {  	s6 =	sshll.u32 s26, $0x1;
	_ =	strace $0x80000046;
	[dreg:$0x1] =	wrdreg $0xFFFFFFFF  }
0xad: {  	s28 =	simm.s32 $_size_execute0_lowered;
	s4 =	sadd.s32 s4, s6;
	[dreg:$0x0] =	wrdreg $0x0  }
0xae: {  	s6 =	sshll.u32 s28, $0x1;
	[dreg:$0x2] =	wrdreg s4  }
0xaf: {  	[dreg:$0x3] =	wrdreg s6  }
0xb0: {  	[dreg:$0x4] =	wrdreg $0xC0  }
0xb1: {  	_ =	task [dreg:s8], $0x5FFFF  }
0xb2: {  	[dreg:$0x1] =	wrdreg $0xFFFFFFFF  }
0xb3: {  	[dreg:$0x0] =	wrdreg $0x60  }
0xb4: {  	[dreg:$0x2] =	wrdreg s24  }
0xb5: {  	[dreg:$0x3] =	wrdreg s17  }
0xb6: {  	[dreg:$0x4] =	wrdreg s16  }
0xb7: {  	[dreg:$0x5] =	wrdreg $0x124800  }
0xb8: {  	[dreg:$0x6] =	wrdreg $0x9  }
0xb9: {  	_ =	task.clear_ibuf [dreg:s8], $0x7FFFF;
	_ =	strace $0x90000046  }
0xba: {  	s29 =	simm.s32 $0x9;
	_ =	strace $0x80000048  }
0xbb: {  	_ =	swait.ge [sflag:s29], $0x1  }
0xbc: {  	[sflag:s29] =	ssyncadd.s32 $0xFFFFFFFF  }
0xbd: {  	_ =	strace $0x90000048  }
0xbe: {  	_ =	sfence  }
0xbf: {  	s30 =	sld [smem:$0x0];
	_ =	sdelay $0x2  }
0xc0: {  	s31 =	sshll.u32 s1, $0xD;
	s1 =	sshrl.u32 s1, $0x2  }
0xc1: {  	s3 =	sand.u32 $0x4000, s31;
	s1 =	sadd.s32 s1, s30  }
0xc2: {  	s0 =	sor.u32 s3, s0;
	s1 =	sshll.u32 s1, $0x11  }
0xc3: {  	s0 =	sor.u32 s1, s0  }
0xc4: {  	s0 =	sadd.s32 $0x8F2B, s0  }
0xc5: {  	[sflag:s0] =	ssyncadd.remote.s32 $0x1  }
0xc6: {  	_ =	sfence.sel $0xFFFF  }
0xc7: {  	[dreg:$0x0] =	wrdreg $0xFFFFFFFF;
	(pc) =	sbr.abs _section_cstart, $3  }
0xc8: {  	[dreg:$0x1] =	wrdreg $0xFFFFFFFF  }
0xc9: {  	_ =	task.clear_ibuf [dreg:s8], $0x2FFFF;
	_ =	strace $0x9FFFFFFF  }
0xca: {  	(tm) =	ssettm $0x7FFFFFFF  }
0xcb: {  	_ =	shalt  }
tec
execute0_lowered:
.L_overlay_start_1:
0x0: {  	(tag) =	ssettag $0x1  }
0x1: {  	s0 =	rddreg [dreg:$0x0]  }
0x2: {  	s1 =	rddreg [dreg:$0x1]  }
0x3: {  	s3 =	rddreg [dreg:$0x2]  }
0x4: {  	s4 =	srdreg.scid;
	[dreg:$0x6] =	wrdreg s1  }
0x5: {  	s2 =	simm.s32 $0x0;
	s5 =	stileid.u32;
	s1 =	rddreg [dreg:$0x3]  }
0x6: {  	s31 =	simm.s32 $0x400;
	[smem:$0x7FF] =	sst s2;
	s4 =	sand.u32 $0x1, s4  }
0x7: {  	s6 =	sadd.s32 $0x42400, s0;
	s8 =	sshll.u32 s5, $0xA;
	s9 =	sadd.s32 $0x41400, s0  }
0x8: {  	p0 =	sne.s32 s5, $0x0;
	s5 =	simm.s32 $0x3;
	_ =	strace $0x80000047  }
0x9: {  	s7 =	sshll.u32 s4, $0xE;
	[dreg:$0x5] =	wrdreg s6;
	s18 =	sshll.u32 s4, $0x4  }
0xa: {  	s4 =	ssub.s32 $0x2, s4;
	s6 =	sor.u32 s8, s7;
	s7 =	sadd.s32 s18, s0  }
0xb: {  	s8 =	sshrl.u32 s6, $0x3;
	s10 =	sor.u32 $0x80, s6;
	s20 =	sor.u32 $0x100, s6  }
0xc: {  	s12 =	sor.u32 $0x180, s6;
	s14 =	sor.u32 $0x200, s6;
	s25 =	sor.u32 $0x280, s6  }
0xd: {  	s15 =	sor.u32 $0x300, s6;
	s17 =	sor.u32 $0x380, s6;
	s6 =	sshll.u32 s6, $0x5  }
0xe: {  	s7 =	sadd.s32 $0x42800, s7;
	s8 =	sadd.s32 s9, s8;
	s11 =	sshrl.u32 s10, $0x3  }
0xf: {  	s21 =	sshrl.u32 s20, $0x3;
	s13 =	sshrl.u32 s12, $0x3;
	s23 =	sshrl.u32 s14, $0x3  }
0x10: {  	s26 =	sshrl.u32 s25, $0x3;
	s16 =	sshrl.u32 s15, $0x3;
	[dreg:$0x17] =	wrdreg s7  }
0x11: {  	s29 =	sshrl.u32 s17, $0x3;
	s6 =	sadd.s32 s3, s6;
	[dreg:$0x7] =	wrdreg s8  }
0x12: {  	s19 =	sadd.s32 s9, s11;
	s8 =	sadd.s32 s9, s21;
	[dreg:$0xf] =	wrdreg s6  }
0x13: {  	s22 =	sadd.s32 s9, s13;
	s24 =	sadd.s32 s9, s23;
	[dreg:$0x8] =	wrdreg s19  }
0x14: {  	s28 =	sadd.s32 s9, s16;
	s30 =	sadd.s32 s9, s29;
	[dreg:$0x9] =	wrdreg s8  }
0x15: {  	s16 =	sshll.u32 s20, $0x5;
	s21 =	sshll.u32 s14, $0x5;
	[dreg:$0xa] =	wrdreg s22  }
0x16: {  	s23 =	sshll.u32 s25, $0x5;
	s25 =	sshll.u32 s15, $0x5;
	[dreg:$0xb] =	wrdreg s24  }
0x17: {  	s29 =	sshrl.u32 s4, $0x1;
	s13 =	simm.s32 $0x10400;
	[dreg:$0xd] =	wrdreg s28  }
0x18: {  	s6 =	simm.s32 $0x8400;
	s8 =	sadd.s32 s9, s26;
	[dreg:$0xe] =	wrdreg s30  }
0x19: {  	s9 =	sshll.u32 s10, $0x5;
	s18 =	sadd.s32 s3, s16;
	[dreg:$0xc] =	wrdreg s8  }
0x1a: {  	s19 =	sshll.u32 s12, $0x5;
	s22 =	sadd.s32 s3, s21;
	[dreg:$0x11] =	wrdreg s18  }
0x1b: {  	s24 =	sadd.s32 s3, s23;
	s26 =	sadd.s32 s3, s25;
	[dreg:$0x13] =	wrdreg s22  }
0x1c: {  	s28 =	sshll.u32 s17, $0x5;
	s30 =	ssub.s32 s4, s29;
	[dreg:$0x14] =	wrdreg s24  }
0x1d: {  	s23 =	simm.s32 $0x1;
	s10 =	sadd.s32 s3, s9;
	[dreg:$0x15] =	wrdreg s26  }
0x1e: {  	v2 =	vlaneseq.u32;
	s20 =	sadd.s32 s3, s19;
	s3 =	sadd.s32 s3, s28;
	[dreg:$0x10] =	wrdreg s10  }
0x1f: {  	vm0 =	vmmov $0xffff;
	v1 =	vshrl.u32 v2, $0x3;
	s4 =	smax.u32 s30, $0x1;
	s18 =	simm.s32 $0x80;
	[dreg:$0x12] =	wrdreg s20  }
0x20: {  	v0 =	vand.u32 $0x7, v2;
	v2 =	vor.u32 $0x8, v2;
	v1 =	vmul.u32 $0x8, v1;
	s24 =	simm.s32 $0x2;
	[dreg:$0x16] =	wrdreg s3;
	s3 =	sadd.s32 $0x1400, s0  }
.LBB2_1:
0x21: {  	s25 =	rddreg [dreg:$0x7]  }
0x22: {  	[tilespmem:s2], [sflag:$0x3] =	stream.linear.gather [hbm4b:s25+s2], $0x80, $0x38;
	[tilespmem:$0x12680] =	vst v63  }
0x23: {  	_ =	swait.ge [sflag:s5], $0x80  }
0x24: {  	[sflag:s5] =	ssyncset.done $0x0  }
0x25: {  	s12 =	rddreg [dreg:$0x8];
	[sflag:s5] =	ssyncadd.s32 $0xFFFFFF80  }
0x26: {  	[tilespmem:s18], [sflag:$0x3] =	stream.linear.gather [hbm4b:s12+s2], $0x80, $0x38;
	[tilespmem:$0x12680] =	vst v63  }
0x27: {  	_ =	swait.ge [sflag:s5], $0x80  }
0x28: {  	[sflag:s5] =	ssyncset.done $0x0  }
0x29: {  	s29 =	simm.s32 $0x100;
	s14 =	rddreg [dreg:$0x9];
	[sflag:s5] =	ssyncadd.s32 $0xFFFFFF80  }
0x2a: {  	[tilespmem:s29], [sflag:$0x3] =	stream.linear.gather [hbm4b:s14+s2], $0x80, $0x38;
	[tilespmem:$0x12680] =	vst v63  }
0x2b: {  	_ =	swait.ge [sflag:s5], $0x80  }
0x2c: {  	[sflag:s5] =	ssyncset.done $0x0  }
0x2d: {  	s30 =	simm.s32 $0x180;
	s15 =	rddreg [dreg:$0xa];
	[sflag:s5] =	ssyncadd.s32 $0xFFFFFF80  }
0x2e: {  	[tilespmem:s30], [sflag:$0x3] =	stream.linear.gather [hbm4b:s15+s2], $0x80, $0x38;
	[tilespmem:$0x12680] =	vst v63  }
0x2f: {  	_ =	swait.ge [sflag:s5], $0x80  }
0x30: {  	[sflag:s5] =	ssyncset.done $0x0  }
0x31: {  	s0 =	simm.s32 $0x200;
	s16 =	rddreg [dreg:$0xb];
	[sflag:s5] =	ssyncadd.s32 $0xFFFFFF80  }
0x32: {  	[tilespmem:s0], [sflag:$0x3] =	stream.linear.gather [hbm4b:s16+s2], $0x80, $0x38;
	[tilespmem:$0x12680] =	vst v63  }
0x33: {  	_ =	swait.ge [sflag:s5], $0x80  }
0x34: {  	[sflag:s5] =	ssyncset.done $0x0  }
0x35: {  	s7 =	simm.s32 $0x280;
	s17 =	rddreg [dreg:$0xc];
	[sflag:s5] =	ssyncadd.s32 $0xFFFFFF80  }
0x36: {  	[tilespmem:s7], [sflag:$0x3] =	stream.linear.gather [hbm4b:s17+s2], $0x80, $0x38;
	[tilespmem:$0x12680] =	vst v63  }
0x37: {  	_ =	swait.ge [sflag:s5], $0x80  }
0x38: {  	[sflag:s5] =	ssyncset.done $0x0  }
0x39: {  	s8 =	simm.s32 $0x300;
	s19 =	rddreg [dreg:$0xd];
	[sflag:s5] =	ssyncadd.s32 $0xFFFFFF80  }
0x3a: {  	[tilespmem:s8], [sflag:$0x3] =	stream.linear.gather [hbm4b:s19+s2], $0x80, $0x38;
	[tilespmem:$0x12680] =	vst v63  }
0x3b: {  	_ =	swait.ge [sflag:s5], $0x80  }
0x3c: {  	[sflag:s5] =	ssyncset.done $0x0  }
0x3d: {  	s9 =	simm.s32 $0x380;
	s20 =	rddreg [dreg:$0xe];
	[sflag:s5] =	ssyncadd.s32 $0xFFFFFF80  }
0x3e: {  	[tilespmem:s9], [sflag:$0x3] =	stream.linear.gather [hbm4b:s20+s2], $0x80, $0x38;
	[tilespmem:$0x12680] =	vst v63  }
0x3f: {  	_ =	swait.ge [sflag:s5], $0x80  }
0x40: {  	[sflag:s5] =	ssyncset.done $0x0  }
0x41: {  	s21 =	rddreg [dreg:$0x6];
	[sflag:s5] =	ssyncadd.s32 $0xFFFFFF80  }
0x42: {  	[tilespmem:s13], [sflag:$0x3] =	stream.linear.gather [hbm4b:s21+s2], $0x80, $0x38;
	[tilespmem:$0x12680] =	vst v63  }
0x43: {  	_ =	swait.ge [sflag:s5], $0x80  }
0x44: {  	s26 =	sshrl.u32 @!p0 s1, $0x3;
	[sflag:s5] =	ssyncset.done $0x0  }
0x45: {  	s28 =	simm.s32 @!p0 $0x1C03;
	s25 =	rddreg [dreg:$0x5];
	[sflag:s5] =	ssyncadd.s32 $0xFFFFFF80  }
0x46: {  	[spmem:s26], [sflag:s28] =	dma.local @!p0 [hbm:s25], $0x400  }
0x47: {  	s25 =	simm.s32 @!p0 $0x3  }
0x48: {  	_ =	swait.ge @!p0 [sflag:s25], $0x400  }
0x49: {  	[sflag:s25] =	ssyncset.done @!p0 $0x0  }
0x4a: {  	[sflag:s25] =	ssyncadd.s32 @!p0 $0xFFFFFC00  }
0x4b: {  	[bflag:$0x0] =	sbarrier.arrive $0xFFFF  }
0x4c: {  	[spmem:s1] =	stream.indirect.scatter.add.s32 [tilespmem:s13], [sflag:$0x3], $0x1, s2, s18, $0xb8;
	[tilespmem:$0x12680] =	vst v63  }
0x4d: {  	_ =	swait.ge [sflag:s5], $0x80  }
0x4e: {  	[sflag:s5] =	ssyncset.done $0x0  }
0x4f: {  	[sflag:s5] =	ssyncadd.s32 $0xFFFFFF80  }
0x50: {  	[spmem:s1] =	stream.indirect.scatter.add.s32 [tilespmem:s13], [sflag:$0x3], $0x1, s18, s18, $0xb8;
	[tilespmem:$0x12680] =	vst v63  }
0x51: {  	_ =	swait.ge [sflag:s5], $0x80  }
0x52: {  	[sflag:s5] =	ssyncset.done $0x0  }
0x53: {  	[sflag:s5] =	ssyncadd.s32 $0xFFFFFF80  }
0x54: {  	[spmem:s1] =	stream.indirect.scatter.add.s32 [tilespmem:s13], [sflag:$0x3], $0x1, s29, s18, $0xb8;
	[tilespmem:$0x12680] =	vst v63  }
0x55: {  	_ =	swait.ge [sflag:s5], $0x80  }
0x56: {  	[sflag:s5] =	ssyncset.done $0x0  }
0x57: {  	[sflag:s5] =	ssyncadd.s32 $0xFFFFFF80  }
0x58: {  	[spmem:s1] =	stream.indirect.scatter.add.s32 [tilespmem:s13], [sflag:$0x3], $0x1, s30, s18, $0xb8;
	[tilespmem:$0x12680] =	vst v63  }
0x59: {  	_ =	swait.ge [sflag:s5], $0x80  }
0x5a: {  	[sflag:s5] =	ssyncset.done $0x0  }
0x5b: {  	[sflag:s5] =	ssyncadd.s32 $0xFFFFFF80  }
0x5c: {  	[spmem:s1] =	stream.indirect.scatter.add.s32 [tilespmem:s13], [sflag:$0x3], $0x1, s0, s18, $0xb8;
	[tilespmem:$0x12680] =	vst v63  }
0x5d: {  	_ =	swait.ge [sflag:s5], $0x80  }
0x5e: {  	[sflag:s5] =	ssyncset.done $0x0  }
0x5f: {  	[sflag:s5] =	ssyncadd.s32 $0xFFFFFF80  }
0x60: {  	[spmem:s1] =	stream.indirect.scatter.add.s32 [tilespmem:s13], [sflag:$0x3], $0x1, s7, s18, $0xb8;
	[tilespmem:$0x12680] =	vst v63  }
0x61: {  	_ =	swait.ge [sflag:s5], $0x80  }
0x62: {  	[sflag:s5] =	ssyncset.done $0x0  }
0x63: {  	[sflag:s5] =	ssyncadd.s32 $0xFFFFFF80  }
0x64: {  	[spmem:s1] =	stream.indirect.scatter.add.s32 [tilespmem:s13], [sflag:$0x3], $0x1, s8, s18, $0xb8;
	[tilespmem:$0x12680] =	vst v63  }
0x65: {  	_ =	swait.ge [sflag:s5], $0x80  }
0x66: {  	[sflag:s5] =	ssyncset.done $0x0  }
0x67: {  	[sflag:s5] =	ssyncadd.s32 $0xFFFFFF80  }
0x68: {  	[spmem:s1] =	stream.indirect.scatter.add.s32 [tilespmem:s13], [sflag:$0x3], $0x1, s9, s18, $0xb8;
	[tilespmem:$0x12680] =	vst v63  }
0x69: {  	_ =	swait.ge [sflag:s5], $0x80  }
0x6a: {  	[sflag:s5] =	ssyncset.done $0x0  }
0x6b: {  	[sflag:s5] =	ssyncadd.s32 $0xFFFFFF80  }
0x6c: {  	v3 =	vld [tilespmem:$0x0];
	_ =	sdelay $0x4  }
0x6d: {  	v4 =	vshll.u32 v3, $0x1  }
0x6e: {  	v3 =	vand.u32 $0x7, v3;
	v4 =	vand.u32 $0xFFFFFFF0, v4  }
0x6f: {  	v3 =	vor.u32 v3, v4  }
0x70: {  	v4 =	vperm.xlane v3, v0;
	_ =	sdelay $0x1  }
0x71: {  	v3 =	vperm.xlane v3, v2;
	v4 =	vadd.s32 v1, v4;
	_ =	sdelay $0x1  }
0x72: {  	v3 =	vadd.s32 v1, v3;
	_ =	sdelay $0x2  }
0x73: {  	[tilespmem:s31], [sflag:$0x1] =	stream.indirect_vreg.gather [hbm4b:s3+s2], $0x80, v4, vm0, $0xb8;
	[tilespmem:$0x12680] =	vst v63  }
0x74: {  	s22 =	simm.s32 $0xC00  }
0x75: {  	[tilespmem:s22], [sflag:$0x1] =	stream.indirect_vreg.gather [hbm4b:s3+s2], $0x80, v3, vm0, $0xb8;
	[tilespmem:$0x12680] =	vst v63  }
0x76: {  	v3 =	vld [tilespmem:$0x10];
	_ =	sdelay $0x4  }
0x77: {  	v57 =	vshll.u32 v3, $0x1  }
0x78: {  	v3 =	vand.u32 $0x7, v3;
	v4 =	vand.u32 $0xFFFFFFF0, v57  }
0x79: {  	v3 =	vor.u32 v3, v4  }
0x7a: {  	v4 =	vperm.xlane v3, v0;
	_ =	sdelay $0x1  }
0x7b: {  	v3 =	vperm.xlane v3, v2;
	v4 =	vadd.s32 v1, v4;
	_ =	sdelay $0x1  }
0x7c: {  	v3 =	vadd.s32 v1, v3;
	_ =	sdelay $0x1  }
0x7d: {  	s26 =	simm.s32 $0x1400  }
0x7e: {  	[tilespmem:s26], [sflag:$0x1] =	stream.indirect_vreg.gather [hbm4b:s3+s2], $0x80, v4, vm0, $0xb8;
	[tilespmem:$0x12680] =	vst v63  }
0x7f: {  	s28 =	simm.s32 $0x1C00  }
0x80: {  	[tilespmem:s28], [sflag:$0x1] =	stream.indirect_vreg.gather [hbm4b:s3+s2], $0x80, v3, vm0, $0xb8;
	[tilespmem:$0x12680] =	vst v63  }
0x81: {  	v3 =	vld [tilespmem:$0x20];
	_ =	sdelay $0x4  }
0x82: {  	v58 =	vshll.u32 v3, $0x1  }
0x83: {  	v3 =	vand.u32 $0x7, v3;
	v4 =	vand.u32 $0xFFFFFFF0, v58  }
0x84: {  	v3 =	vor.u32 v3, v4  }
0x85: {  	v4 =	vperm.xlane v3, v0;
	_ =	sdelay $0x1  }
0x86: {  	v3 =	vperm.xlane v3, v2;
	v4 =	vadd.s32 v1, v4;
	_ =	sdelay $0x1  }
0x87: {  	v3 =	vadd.s32 v1, v3;
	_ =	sdelay $0x1  }
0x88: {  	s29 =	simm.s32 $0x2400  }
0x89: {  	[tilespmem:s29], [sflag:$0x1] =	stream.indirect_vreg.gather [hbm4b:s3+s2], $0x80, v4, vm0, $0xb8;
	[tilespmem:$0x12680] =	vst v63  }
0x8a: {  	s30 =	simm.s32 $0x2C00  }
0x8b: {  	[tilespmem:s30], [sflag:$0x1] =	stream.indirect_vreg.gather [hbm4b:s3+s2], $0x80, v3, vm0, $0xb8;
	[tilespmem:$0x12680] =	vst v63  }
0x8c: {  	v3 =	vld [tilespmem:$0x30];
	_ =	sdelay $0x4  }
0x8d: {  	v59 =	vshll.u32 v3, $0x1  }
0x8e: {  	v3 =	vand.u32 $0x7, v3;
	v4 =	vand.u32 $0xFFFFFFF0, v59  }
0x8f: {  	v3 =	vor.u32 v3, v4  }
0x90: {  	v4 =	vperm.xlane v3, v0;
	_ =	sdelay $0x1  }
0x91: {  	v3 =	vperm.xlane v3, v2;
	v4 =	vadd.s32 v1, v4;
	_ =	sdelay $0x1  }
0x92: {  	v3 =	vadd.s32 v1, v3;
	_ =	sdelay $0x1  }
0x93: {  	s7 =	simm.s32 $0x3400  }
0x94: {  	[tilespmem:s7], [sflag:$0x1] =	stream.indirect_vreg.gather [hbm4b:s3+s2], $0x80, v4, vm0, $0xb8;
	[tilespmem:$0x12680] =	vst v63  }
0x95: {  	s8 =	simm.s32 $0x3C00  }
0x96: {  	[tilespmem:s8], [sflag:$0x1] =	stream.indirect_vreg.gather [hbm4b:s3+s2], $0x80, v3, vm0, $0xb8;
	[tilespmem:$0x12680] =	vst v63  }
0x97: {  	v3 =	vld [tilespmem:$0x40];
	_ =	sdelay $0x4  }
0x98: {  	v60 =	vshll.u32 v3, $0x1  }
0x99: {  	v3 =	vand.u32 $0x7, v3;
	v4 =	vand.u32 $0xFFFFFFF0, v60  }
0x9a: {  	v3 =	vor.u32 v3, v4  }
0x9b: {  	v4 =	vperm.xlane v3, v0;
	_ =	sdelay $0x1  }
0x9c: {  	v3 =	vperm.xlane v3, v2;
	v4 =	vadd.s32 v1, v4;
	_ =	sdelay $0x1  }
0x9d: {  	v3 =	vadd.s32 v1, v3;
	_ =	sdelay $0x1  }
0x9e: {  	s9 =	simm.s32 $0x4400  }
0x9f: {  	[tilespmem:s9], [sflag:$0x1] =	stream.indirect_vreg.gather [hbm4b:s3+s2], $0x80, v4, vm0, $0xb8;
	[tilespmem:$0x12680] =	vst v63  }
0xa0: {  	s12 =	simm.s32 $0x4C00  }
0xa1: {  	[tilespmem:s12], [sflag:$0x1] =	stream.indirect_vreg.gather [hbm4b:s3+s2], $0x80, v3, vm0, $0xb8;
	[tilespmem:$0x12680] =	vst v63  }
0xa2: {  	v3 =	vld [tilespmem:$0x50];
	_ =	sdelay $0x4  }
0xa3: {  	v61 =	vshll.u32 v3, $0x1  }
0xa4: {  	v3 =	vand.u32 $0x7, v3;
	v4 =	vand.u32 $0xFFFFFFF0, v61  }
0xa5: {  	v3 =	vor.u32 v3, v4  }
0xa6: {  	v4 =	vperm.xlane v3, v0;
	_ =	sdelay $0x1  }
0xa7: {  	v3 =	vperm.xlane v3, v2;
	v4 =	vadd.s32 v1, v4;
	_ =	sdelay $0x1  }
0xa8: {  	v3 =	vadd.s32 v1, v3;
	_ =	sdelay $0x1  }
0xa9: {  	s14 =	simm.s32 $0x5400  }
0xaa: {  	[tilespmem:s14], [sflag:$0x1] =	stream.indirect_vreg.gather [hbm4b:s3+s2], $0x80, v4, vm0, $0xb8;
	[tilespmem:$0x12680] =	vst v63  }
0xab: {  	s19 =	simm.s32 $0x5C00  }
0xac: {  	[tilespmem:s19], [sflag:$0x1] =	stream.indirect_vreg.gather [hbm4b:s3+s2], $0x80, v3, vm0, $0xb8;
	[tilespmem:$0x12680] =	vst v63  }
0xad: {  	v3 =	vld [tilespmem:$0x60];
	_ =	sdelay $0x4  }
0xae: {  	v62 =	vshll.u32 v3, $0x1  }
0xaf: {  	v3 =	vand.u32 $0x7, v3;
	v4 =	vand.u32 $0xFFFFFFF0, v62  }
0xb0: {  	v3 =	vor.u32 v3, v4  }
0xb1: {  	v4 =	vperm.xlane v3, v0;
	_ =	sdelay $0x1  }
0xb2: {  	v3 =	vperm.xlane v3, v2;
	v4 =	vadd.s32 v1, v4;
	_ =	sdelay $0x1  }
0xb3: {  	v3 =	vadd.s32 v1, v3;
	_ =	sdelay $0x1  }
0xb4: {  	s20 =	simm.s32 $0x6400  }
0xb5: {  	[tilespmem:s20], [sflag:$0x1] =	stream.indirect_vreg.gather [hbm4b:s3+s2], $0x80, v4, vm0, $0xb8;
	[tilespmem:$0x12680] =	vst v63  }
0xb6: {  	s21 =	simm.s32 $0x6C00  }
0xb7: {  	[tilespmem:s21], [sflag:$0x1] =	stream.indirect_vreg.gather [hbm4b:s3+s2], $0x80, v3, vm0, $0xb8;
	[tilespmem:$0x12680] =	vst v63  }
0xb8: {  	v3 =	vld [tilespmem:$0x70];
	_ =	sdelay $0x4  }
0xb9: {  	v63 =	vshll.u32 v3, $0x1  }
0xba: {  	v3 =	vand.u32 $0x7, v3;
	v4 =	vand.u32 $0xFFFFFFF0, v63  }
0xbb: {  	v3 =	vor.u32 v3, v4  }
0xbc: {  	v4 =	vperm.xlane v3, v0;
	_ =	sdelay $0x1  }
0xbd: {  	v3 =	vperm.xlane v3, v2;
	v4 =	vadd.s32 v1, v4;
	_ =	sdelay $0x1  }
0xbe: {  	v3 =	vadd.s32 v1, v3;
	_ =	sdelay $0x1  }
0xbf: {  	s22 =	simm.s32 $0x7400  }
0xc0: {  	[tilespmem:s22], [sflag:$0x1] =	stream.indirect_vreg.gather [hbm4b:s3+s2], $0x80, v4, vm0, $0xb8;
	[tilespmem:$0x12680] =	vst v63  }
0xc1: {  	s26 =	simm.s32 $0x7C00  }
0xc2: {  	[tilespmem:s26], [sflag:$0x1] =	stream.indirect_vreg.gather [hbm4b:s3+s2], $0x80, v3, vm0, $0xb8;
	[tilespmem:$0x12680] =	vst v63  }
0xc3: {  	v3 =	vld [tilespmem:$0x80];
	_ =	sdelay $0x4  }
0xc4: {  	v8 =	vshll.u32 v3, $0x1  }
0xc5: {  	v3 =	vand.u32 $0x7, v3;
	v4 =	vand.u32 $0xFFFFFFF0, v8  }
0xc6: {  	v3 =	vor.u32 v3, v4  }
0xc7: {  	v4 =	vperm.xlane v3, v0;
	_ =	sdelay $0x1  }
0xc8: {  	v3 =	vperm.xlane v3, v2;
	v4 =	vadd.s32 v1, v4;
	_ =	sdelay $0x1  }
0xc9: {  	v3 =	vadd.s32 v1, v3;
	_ =	sdelay $0x2  }
0xca: {  	[tilespmem:s6], [sflag:$0x2] =	stream.indirect_vreg.gather [hbm4b:s3+s2], $0x80, v4, vm0, $0xb8;
	[tilespmem:$0x12680] =	vst v63  }
0xcb: {  	s28 =	simm.s32 $0x8C00  }
0xcc: {  	[tilespmem:s28], [sflag:$0x2] =	stream.indirect_vreg.gather [hbm4b:s3+s2], $0x80, v3, vm0, $0xb8;
	[tilespmem:$0x12680] =	vst v63  }
0xcd: {  	v3 =	vld [tilespmem:$0x90];
	_ =	sdelay $0x4  }
0xce: {  	v9 =	vshll.u32 v3, $0x1  }
0xcf: {  	v3 =	vand.u32 $0x7, v3;
	v4 =	vand.u32 $0xFFFFFFF0, v9  }
0xd0: {  	v3 =	vor.u32 v3, v4  }
0xd1: {  	v4 =	vperm.xlane v3, v0;
	_ =	sdelay $0x1  }
0xd2: {  	v3 =	vperm.xlane v3, v2;
	v4 =	vadd.s32 v1, v4;
	_ =	sdelay $0x1  }
0xd3: {  	v3 =	vadd.s32 v1, v3;
	_ =	sdelay $0x1  }
0xd4: {  	s29 =	simm.s32 $0x9400  }
0xd5: {  	[tilespmem:s29], [sflag:$0x2] =	stream.indirect_vreg.gather [hbm4b:s3+s2], $0x80, v4, vm0, $0xb8;
	[tilespmem:$0x12680] =	vst v63  }
0xd6: {  	s30 =	simm.s32 $0x9C00  }
0xd7: {  	[tilespmem:s30], [sflag:$0x2] =	stream.indirect_vreg.gather [hbm4b:s3+s2], $0x80, v3, vm0, $0xb8;
	[tilespmem:$0x12680] =	vst v63  }
0xd8: {  	v3 =	vld [tilespmem:$0xA0];
	_ =	sdelay $0x4  }
0xd9: {  	v10 =	vshll.u32 v3, $0x1  }
0xda: {  	v3 =	vand.u32 $0x7, v3;
	v4 =	vand.u32 $0xFFFFFFF0, v10  }
0xdb: {  	v3 =	vor.u32 v3, v4  }
0xdc: {  	v4 =	vperm.xlane v3, v0;
	_ =	sdelay $0x1  }
0xdd: {  	v3 =	vperm.xlane v3, v2;
	v4 =	vadd.s32 v1, v4;
	_ =	sdelay $0x1  }
0xde: {  	v3 =	vadd.s32 v1, v3;
	_ =	sdelay $0x1  }
0xdf: {  	s0 =	simm.s32 $0xA400  }
0xe0: {  	[tilespmem:s0], [sflag:$0x2] =	stream.indirect_vreg.gather [hbm4b:s3+s2], $0x80, v4, vm0, $0xb8;
	[tilespmem:$0x12680] =	vst v63  }
0xe1: {  	s7 =	simm.s32 $0xAC00  }
0xe2: {  	[tilespmem:s7], [sflag:$0x2] =	stream.indirect_vreg.gather [hbm4b:s3+s2], $0x80, v3, vm0, $0xb8;
	[tilespmem:$0x12680] =	vst v63  }
0xe3: {  	v3 =	vld [tilespmem:$0xB0];
	_ =	sdelay $0x4  }
0xe4: {  	v11 =	vshll.u32 v3, $0x1  }
0xe5: {  	v3 =	vand.u32 $0x7, v3;
	v4 =	vand.u32 $0xFFFFFFF0, v11  }
0xe6: {  	v3 =	vor.u32 v3, v4  }
0xe7: {  	v4 =	vperm.xlane v3, v0;
	_ =	sdelay $0x1  }
0xe8: {  	v3 =	vperm.xlane v3, v2;
	v4 =	vadd.s32 v1, v4;
	_ =	sdelay $0x1  }
0xe9: {  	v3 =	vadd.s32 v1, v3;
	_ =	sdelay $0x1  }
0xea: {  	s8 =	simm.s32 $0xB400  }
0xeb: {  	[tilespmem:s8], [sflag:$0x2] =	stream.indirect_vreg.gather [hbm4b:s3+s2], $0x80, v4, vm0, $0xb8;
	[tilespmem:$0x12680] =	vst v63  }
0xec: {  	s9 =	simm.s32 $0xBC00  }
0xed: {  	[tilespmem:s9], [sflag:$0x2] =	stream.indirect_vreg.gather [hbm4b:s3+s2], $0x80, v3, vm0, $0xb8;
	[tilespmem:$0x12680] =	vst v63  }
0xee: {  	v3 =	vld [tilespmem:$0xC0];
	_ =	sdelay $0x4  }
0xef: {  	v12 =	vshll.u32 v3, $0x1  }
0xf0: {  	v3 =	vand.u32 $0x7, v3;
	v4 =	vand.u32 $0xFFFFFFF0, v12  }
0xf1: {  	v3 =	vor.u32 v3, v4  }
0xf2: {  	v4 =	vperm.xlane v3, v0;
	_ =	sdelay $0x1  }
0xf3: {  	v3 =	vperm.xlane v3, v2;
	v4 =	vadd.s32 v1, v4;
	_ =	sdelay $0x1  }
0xf4: {  	v3 =	vadd.s32 v1, v3;
	_ =	sdelay $0x1  }
0xf5: {  	s19 =	simm.s32 $0xC400  }
0xf6: {  	[tilespmem:s19], [sflag:$0x2] =	stream.indirect_vreg.gather [hbm4b:s3+s2], $0x80, v4, vm0, $0xb8;
	[tilespmem:$0x12680] =	vst v63  }
0xf7: {  	s21 =	simm.s32 $0xCC00  }
0xf8: {  	[tilespmem:s21], [sflag:$0x2] =	stream.indirect_vreg.gather [hbm4b:s3+s2], $0x80, v3, vm0, $0xb8;
	[tilespmem:$0x12680] =	vst v63  }
0xf9: {  	v3 =	vld [tilespmem:$0xD0];
	_ =	sdelay $0x4  }
0xfa: {  	v13 =	vshll.u32 v3, $0x1  }
0xfb: {  	v3 =	vand.u32 $0x7, v3;
	v4 =	vand.u32 $0xFFFFFFF0, v13  }
0xfc: {  	v3 =	vor.u32 v3, v4  }
0xfd: {  	v4 =	vperm.xlane v3, v0;
	_ =	sdelay $0x1  }
0xfe: {  	v3 =	vperm.xlane v3, v2;
	v4 =	vadd.s32 v1, v4;
	_ =	sdelay $0x1  }
0xff: {  	v3 =	vadd.s32 v1, v3;
	_ =	sdelay $0x1  }
0x100: {  	s22 =	simm.s32 $0xD400  }
0x101: {  	[tilespmem:s22], [sflag:$0x2] =	stream.indirect_vreg.gather [hbm4b:s3+s2], $0x80, v4, vm0, $0xb8;
	[tilespmem:$0x12680] =	vst v63  }
0x102: {  	s28 =	simm.s32 $0xDC00  }
0x103: {  	[tilespmem:s28], [sflag:$0x2] =	stream.indirect_vreg.gather [hbm4b:s3+s2], $0x80, v3, vm0, $0xb8;
	[tilespmem:$0x12680] =	vst v63  }
0x104: {  	v3 =	vld [tilespmem:$0xE0];
	_ =	sdelay $0x4  }
0x105: {  	v14 =	vshll.u32 v3, $0x1  }
0x106: {  	v3 =	vand.u32 $0x7, v3;
	v4 =	vand.u32 $0xFFFFFFF0, v14  }
0x107: {  	v3 =	vor.u32 v3, v4  }
0x108: {  	v4 =	vperm.xlane v3, v0;
	_ =	sdelay $0x1  }
0x109: {  	v3 =	vperm.xlane v3, v2;
	v4 =	vadd.s32 v1, v4;
	_ =	sdelay $0x1  }
0x10a: {  	v3 =	vadd.s32 v1, v3;
	_ =	sdelay $0x1  }
0x10b: {  	s29 =	simm.s32 $0xE400  }
0x10c: {  	[tilespmem:s29], [sflag:$0x2] =	stream.indirect_vreg.gather [hbm4b:s3+s2], $0x80, v4, vm0, $0xb8;
	[tilespmem:$0x12680] =	vst v63  }
0x10d: {  	s0 =	simm.s32 $0xEC00  }
0x10e: {  	[tilespmem:s0], [sflag:$0x2] =	stream.indirect_vreg.gather [hbm4b:s3+s2], $0x80, v3, vm0, $0xb8;
	[tilespmem:$0x12680] =	vst v63  }
0x10f: {  	v3 =	vld [tilespmem:$0xF0];
	_ =	sdelay $0x4  }
0x110: {  	v15 =	vshll.u32 v3, $0x1  }
0x111: {  	v3 =	vand.u32 $0x7, v3;
	v4 =	vand.u32 $0xFFFFFFF0, v15  }
0x112: {  	v3 =	vor.u32 v3, v4  }
0x113: {  	v4 =	vperm.xlane v3, v0;
	_ =	sdelay $0x1  }
0x114: {  	v3 =	vperm.xlane v3, v2;
	v4 =	vadd.s32 v1, v4;
	_ =	sdelay $0x1  }
0x115: {  	v3 =	vadd.s32 v1, v3;
	_ =	sdelay $0x1  }
0x116: {  	s19 =	simm.s32 $0xF400  }
0x117: {  	[tilespmem:s19], [sflag:$0x2] =	stream.indirect_vreg.gather [hbm4b:s3+s2], $0x80, v4, vm0, $0xb8;
	[tilespmem:$0x12680] =	vst v63  }
0x118: {  	s21 =	simm.s32 $0xFC00  }
0x119: {  	[tilespmem:s21], [sflag:$0x2] =	stream.indirect_vreg.gather [hbm4b:s3+s2], $0x80, v3, vm0, $0xb8;
	[tilespmem:$0x12680] =	vst v63  }
0x11a: {  	_ =	swait.ge [sflag:s23], $0x8000  }
0x11b: {  	[sflag:s23] =	ssyncset.done $0x0  }
0x11c: {  	s22 =	rddreg [dreg:$0xf];
	[sflag:s23] =	ssyncadd.s32 $0xFFFF8000  }
0x11d: {  	[hbm4b:s22+s2] =	stream.linear.scatter [tilespmem:s31], [sflag:$0x3], $0x8000, $0x38;
	[tilespmem:$0x12680] =	vst v63  }
0x11e: {  	_ =	swait.ge [sflag:s5], $0x8000  }
0x11f: {  	[sflag:s5] =	ssyncset.done $0x0  }
0x120: {  	[sflag:s5] =	ssyncadd.s32 $0xFFFF8000  }
0x121: {  	v3 =	vld [tilespmem:$0x100];
	_ =	sdelay $0x4  }
0x122: {  	v16 =	vshll.u32 v3, $0x1  }
0x123: {  	v3 =	vand.u32 $0x7, v3;
	v4 =	vand.u32 $0xFFFFFFF0, v16  }
0x124: {  	v3 =	vor.u32 v3, v4  }
0x125: {  	v4 =	vperm.xlane v3, v0;
	_ =	sdelay $0x1  }
0x126: {  	v3 =	vperm.xlane v3, v2;
	v4 =	vadd.s32 v1, v4;
	_ =	sdelay $0x1  }
0x127: {  	v3 =	vadd.s32 v1, v3;
	_ =	sdelay $0x2  }
0x128: {  	[tilespmem:s31], [sflag:$0x1] =	stream.indirect_vreg.gather [hbm4b:s3+s2], $0x80, v4, vm0, $0xb8;
	[tilespmem:$0x12680] =	vst v63  }
0x129: {  	s11 =	simm.s32 $0xC00  }
0x12a: {  	[tilespmem:s11], [sflag:$0x1] =	stream.indirect_vreg.gather [hbm4b:s3+s2], $0x80, v3, vm0, $0xb8;
	[tilespmem:$0x12680] =	vst v63  }
0x12b: {  	v3 =	vld [tilespmem:$0x110];
	_ =	sdelay $0x4  }
0x12c: {  	v17 =	vshll.u32 v3, $0x1  }
0x12d: {  	v3 =	vand.u32 $0x7, v3;
	v4 =	vand.u32 $0xFFFFFFF0, v17  }
0x12e: {  	v3 =	vor.u32 v3, v4  }
0x12f: {  	v4 =	vperm.xlane v3, v0;
	_ =	sdelay $0x1  }
0x130: {  	v3 =	vperm.xlane v3, v2;
	v4 =	vadd.s32 v1, v4;
	_ =	sdelay $0x1  }
0x131: {  	v3 =	vadd.s32 v1, v3;
	_ =	sdelay $0x1  }
0x132: {  	s21 =	simm.s32 $0x1400  }
0x133: {  	[tilespmem:s21], [sflag:$0x1] =	stream.indirect_vreg.gather [hbm4b:s3+s2], $0x80, v4, vm0, $0xb8;
	[tilespmem:$0x12680] =	vst v63  }
0x134: {  	s15 =	simm.s32 $0x1C00  }
0x135: {  	[tilespmem:s15], [sflag:$0x1] =	stream.indirect_vreg.gather [hbm4b:s3+s2], $0x80, v3, vm0, $0xb8;
	[tilespmem:$0x12680] =	vst v63  }
0x136: {  	v3 =	vld [tilespmem:$0x120];
	_ =	sdelay $0x4  }
0x137: {  	v18 =	vshll.u32 v3, $0x1  }
0x138: {  	v3 =	vand.u32 $0x7, v3;
	v4 =	vand.u32 $0xFFFFFFF0, v18  }
0x139: {  	v3 =	vor.u32 v3, v4  }
0x13a: {  	v4 =	vperm.xlane v3, v0;
	_ =	sdelay $0x1  }
0x13b: {  	v3 =	vperm.xlane v3, v2;
	v4 =	vadd.s32 v1, v4;
	_ =	sdelay $0x1  }
0x13c: {  	v3 =	vadd.s32 v1, v3;
	_ =	sdelay $0x1  }
0x13d: {  	s22 =	simm.s32 $0x2400  }
0x13e: {  	[tilespmem:s22], [sflag:$0x1] =	stream.indirect_vreg.gather [hbm4b:s3+s2], $0x80, v4, vm0, $0xb8;
	[tilespmem:$0x12680] =	vst v63  }
0x13f: {  	s16 =	simm.s32 $0x2C00  }
0x140: {  	[tilespmem:s16], [sflag:$0x1] =	stream.indirect_vreg.gather [hbm4b:s3+s2], $0x80, v3, vm0, $0xb8;
	[tilespmem:$0x12680] =	vst v63  }
0x141: {  	v3 =	vld [tilespmem:$0x130];
	_ =	sdelay $0x4  }
0x142: {  	v19 =	vshll.u32 v3, $0x1  }
0x143: {  	v3 =	vand.u32 $0x7, v3;
	v4 =	vand.u32 $0xFFFFFFF0, v19  }
0x144: {  	v3 =	vor.u32 v3, v4  }
0x145: {  	v4 =	vperm.xlane v3, v0;
	_ =	sdelay $0x1  }
0x146: {  	v3 =	vperm.xlane v3, v2;
	v4 =	vadd.s32 v1, v4;
	_ =	sdelay $0x1  }
0x147: {  	v3 =	vadd.s32 v1, v3;
	_ =	sdelay $0x1  }
0x148: {  	s10 =	simm.s32 $0x3400  }
0x149: {  	[tilespmem:s10], [sflag:$0x1] =	stream.indirect_vreg.gather [hbm4b:s3+s2], $0x80, v4, vm0, $0xb8;
	[tilespmem:$0x12680] =	vst v63  }
0x14a: {  	s17 =	simm.s32 $0x3C00  }
0x14b: {  	[tilespmem:s17], [sflag:$0x1] =	stream.indirect_vreg.gather [hbm4b:s3+s2], $0x80, v3, vm0, $0xb8;
	[tilespmem:$0x12680] =	vst v63  }
0x14c: {  	v3 =	vld [tilespmem:$0x140];
	_ =	sdelay $0x4  }
0x14d: {  	v20 =	vshll.u32 v3, $0x1  }
0x14e: {  	v3 =	vand.u32 $0x7, v3;
	v4 =	vand.u32 $0xFFFFFFF0, v20  }
0x14f: {  	v3 =	vor.u32 v3, v4  }
0x150: {  	v4 =	vperm.xlane v3, v0;
	_ =	sdelay $0x1  }
0x151: {  	v3 =	vperm.xlane v3, v2;
	v4 =	vadd.s32 v1, v4;
	_ =	sdelay $0x1  }
0x152: {  	v3 =	vadd.s32 v1, v3;
	_ =	sdelay $0x1  }
0x153: {  	s0 =	simm.s32 $0x4400  }
0x154: {  	[tilespmem:s0], [sflag:$0x1] =	stream.indirect_vreg.gather [hbm4b:s3+s2], $0x80, v4, vm0, $0xb8;
	[tilespmem:$0x12680] =	vst v63  }
0x155: {  	s12 =	simm.s32 $0x4C00  }
0x156: {  	[tilespmem:s12], [sflag:$0x1] =	stream.indirect_vreg.gather [hbm4b:s3+s2], $0x80, v3, vm0, $0xb8;
	[tilespmem:$0x12680] =	vst v63  }
0x157: {  	v3 =	vld [tilespmem:$0x150];
	_ =	sdelay $0x4  }
0x158: {  	v21 =	vshll.u32 v3, $0x1  }
0x159: {  	v3 =	vand.u32 $0x7, v3;
	v4 =	vand.u32 $0xFFFFFFF0, v21  }
0x15a: {  	v3 =	vor.u32 v3, v4  }
0x15b: {  	v4 =	vperm.xlane v3, v0;
	_ =	sdelay $0x1  }
0x15c: {  	v3 =	vperm.xlane v3, v2;
	v4 =	vadd.s32 v1, v4;
	_ =	sdelay $0x1  }
0x15d: {  	v3 =	vadd.s32 v1, v3;
	_ =	sdelay $0x1  }
0x15e: {  	s10 =	simm.s32 $0x5400  }
0x15f: {  	[tilespmem:s10], [sflag:$0x1] =	stream.indirect_vreg.gather [hbm4b:s3+s2], $0x80, v4, vm0, $0xb8;
	[tilespmem:$0x12680] =	vst v63  }
0x160: {  	s15 =	simm.s32 $0x5C00  }
0x161: {  	[tilespmem:s15], [sflag:$0x1] =	stream.indirect_vreg.gather [hbm4b:s3+s2], $0x80, v3, vm0, $0xb8;
	[tilespmem:$0x12680] =	vst v63  }
0x162: {  	v3 =	vld [tilespmem:$0x160];
	_ =	sdelay $0x4  }
0x163: {  	v22 =	vshll.u32 v3, $0x1  }
0x164: {  	v3 =	vand.u32 $0x7, v3;
	v4 =	vand.u32 $0xFFFFFFF0, v22  }
0x165: {  	v3 =	vor.u32 v3, v4  }
0x166: {  	v4 =	vperm.xlane v3, v0;
	_ =	sdelay $0x1  }
0x167: {  	v3 =	vperm.xlane v3, v2;
	v4 =	vadd.s32 v1, v4;
	_ =	sdelay $0x1  }
0x168: {  	v3 =	vadd.s32 v1, v3;
	_ =	sdelay $0x1  }
0x169: {  	s11 =	simm.s32 $0x6400  }
0x16a: {  	[tilespmem:s11], [sflag:$0x1] =	stream.indirect_vreg.gather [hbm4b:s3+s2], $0x80, v4, vm0, $0xb8;
	[tilespmem:$0x12680] =	vst v63  }
0x16b: {  	s16 =	simm.s32 $0x6C00  }
0x16c: {  	[tilespmem:s16], [sflag:$0x1] =	stream.indirect_vreg.gather [hbm4b:s3+s2], $0x80, v3, vm0, $0xb8;
	[tilespmem:$0x12680] =	vst v63  }
0x16d: {  	v3 =	vld [tilespmem:$0x170];
	_ =	sdelay $0x4  }
0x16e: {  	v23 =	vshll.u32 v3, $0x1  }
0x16f: {  	v3 =	vand.u32 $0x7, v3;
	v4 =	vand.u32 $0xFFFFFFF0, v23  }
0x170: {  	v3 =	vor.u32 v3, v4  }
0x171: {  	v4 =	vperm.xlane v3, v0;
	_ =	sdelay $0x1  }
0x172: {  	v3 =	vperm.xlane v3, v2;
	v4 =	vadd.s32 v1, v4;
	_ =	sdelay $0x1  }
0x173: {  	v3 =	vadd.s32 v1, v3;
	_ =	sdelay $0x1  }
0x174: {  	s12 =	simm.s32 $0x7400  }
0x175: {  	[tilespmem:s12], [sflag:$0x1] =	stream.indirect_vreg.gather [hbm4b:s3+s2], $0x80, v4, vm0, $0xb8;
	[tilespmem:$0x12680] =	vst v63  }
0x176: {  	s17 =	simm.s32 $0x7C00  }
0x177: {  	[tilespmem:s17], [sflag:$0x1] =	stream.indirect_vreg.gather [hbm4b:s3+s2], $0x80, v3, vm0, $0xb8;
	[tilespmem:$0x12680] =	vst v63  }
0x178: {  	_ =	swait.ge [sflag:s24], $0x8000  }
0x179: {  	[sflag:s24] =	ssyncset.done $0x0  }
0x17a: {  	s26 =	rddreg [dreg:$0x10];
	[sflag:s24] =	ssyncadd.s32 $0xFFFF8000  }
0x17b: {  	[hbm4b:s26+s2] =	stream.linear.scatter [tilespmem:s6], [sflag:$0x3], $0x8000, $0x38;
	[tilespmem:$0x12680] =	vst v63  }
0x17c: {  	_ =	swait.ge [sflag:s5], $0x8000  }
0x17d: {  	[sflag:s5] =	ssyncset.done $0x0  }
0x17e: {  	[sflag:s5] =	ssyncadd.s32 $0xFFFF8000  }
0x17f: {  	v3 =	vld [tilespmem:$0x180];
	_ =	sdelay $0x4  }
0x180: {  	v24 =	vshll.u32 v3, $0x1  }
0x181: {  	v3 =	vand.u32 $0x7, v3;
	v4 =	vand.u32 $0xFFFFFFF0, v24  }
0x182: {  	v3 =	vor.u32 v3, v4  }
0x183: {  	v4 =	vperm.xlane v3, v0;
	_ =	sdelay $0x1  }
0x184: {  	v3 =	vperm.xlane v3, v2;
	v4 =	vadd.s32 v1, v4;
	_ =	sdelay $0x1  }
0x185: {  	v3 =	vadd.s32 v1, v3;
	_ =	sdelay $0x2  }
0x186: {  	[tilespmem:s6], [sflag:$0x2] =	stream.indirect_vreg.gather [hbm4b:s3+s2], $0x80, v4, vm0, $0xb8;
	[tilespmem:$0x12680] =	vst v63  }
0x187: {  	s14 =	simm.s32 $0x8C00  }
0x188: {  	[tilespmem:s14], [sflag:$0x2] =	stream.indirect_vreg.gather [hbm4b:s3+s2], $0x80, v3, vm0, $0xb8;
	[tilespmem:$0x12680] =	vst v63  }
0x189: {  	v3 =	vld [tilespmem:$0x190];
	_ =	sdelay $0x4  }
0x18a: {  	v25 =	vshll.u32 v3, $0x1  }
0x18b: {  	v3 =	vand.u32 $0x7, v3;
	v4 =	vand.u32 $0xFFFFFFF0, v25  }
0x18c: {  	v3 =	vor.u32 v3, v4  }
0x18d: {  	v4 =	vperm.xlane v3, v0;
	_ =	sdelay $0x1  }
0x18e: {  	v3 =	vperm.xlane v3, v2;
	v4 =	vadd.s32 v1, v4;
	_ =	sdelay $0x1  }
0x18f: {  	v3 =	vadd.s32 v1, v3;
	_ =	sdelay $0x1  }
0x190: {  	s14 =	simm.s32 $0x9400  }
0x191: {  	[tilespmem:s14], [sflag:$0x2] =	stream.indirect_vreg.gather [hbm4b:s3+s2], $0x80, v4, vm0, $0xb8;
	[tilespmem:$0x12680] =	vst v63  }
0x192: {  	s20 =	simm.s32 $0x9C00  }
0x193: {  	[tilespmem:s20], [sflag:$0x2] =	stream.indirect_vreg.gather [hbm4b:s3+s2], $0x80, v3, vm0, $0xb8;
	[tilespmem:$0x12680] =	vst v63  }
0x194: {  	v3 =	vld [tilespmem:$0x1A0];
	_ =	sdelay $0x4  }
0x195: {  	v26 =	vshll.u32 v3, $0x1  }
0x196: {  	v3 =	vand.u32 $0x7, v3;
	v4 =	vand.u32 $0xFFFFFFF0, v26  }
0x197: {  	v3 =	vor.u32 v3, v4  }
0x198: {  	v4 =	vperm.xlane v3, v0;
	_ =	sdelay $0x1  }
0x199: {  	v3 =	vperm.xlane v3, v2;
	v4 =	vadd.s32 v1, v4;
	_ =	sdelay $0x1  }
0x19a: {  	v3 =	vadd.s32 v1, v3;
	_ =	sdelay $0x1  }
0x19b: {  	s30 =	simm.s32 $0xA400  }
0x19c: {  	[tilespmem:s30], [sflag:$0x2] =	stream.indirect_vreg.gather [hbm4b:s3+s2], $0x80, v4, vm0, $0xb8;
	[tilespmem:$0x12680] =	vst v63  }
0x19d: {  	s7 =	simm.s32 $0xAC00  }
0x19e: {  	[tilespmem:s7], [sflag:$0x2] =	stream.indirect_vreg.gather [hbm4b:s3+s2], $0x80, v3, vm0, $0xb8;
	[tilespmem:$0x12680] =	vst v63  }
0x19f: {  	v3 =	vld [tilespmem:$0x1B0];
	_ =	sdelay $0x4  }
0x1a0: {  	v27 =	vshll.u32 v3, $0x1  }
0x1a1: {  	v3 =	vand.u32 $0x7, v3;
	v4 =	vand.u32 $0xFFFFFFF0, v27  }
0x1a2: {  	v3 =	vor.u32 v3, v4  }
0x1a3: {  	v4 =	vperm.xlane v3, v0;
	_ =	sdelay $0x1  }
0x1a4: {  	v3 =	vperm.xlane v3, v2;
	v4 =	vadd.s32 v1, v4;
	_ =	sdelay $0x1  }
0x1a5: {  	v3 =	vadd.s32 v1, v3;
	_ =	sdelay $0x1  }
0x1a6: {  	s26 =	simm.s32 $0xB400  }
0x1a7: {  	[tilespmem:s26], [sflag:$0x2] =	stream.indirect_vreg.gather [hbm4b:s3+s2], $0x80, v4, vm0, $0xb8;
	[tilespmem:$0x12680] =	vst v63  }
0x1a8: {  	s8 =	simm.s32 $0xBC00  }
0x1a9: {  	[tilespmem:s8], [sflag:$0x2] =	stream.indirect_vreg.gather [hbm4b:s3+s2], $0x80, v3, vm0, $0xb8;
	[tilespmem:$0x12680] =	vst v63  }
0x1aa: {  	v3 =	vld [tilespmem:$0x1C0];
	_ =	sdelay $0x4  }
0x1ab: {  	v28 =	vshll.u32 v3, $0x1  }
0x1ac: {  	v3 =	vand.u32 $0x7, v3;
	v4 =	vand.u32 $0xFFFFFFF0, v28  }
0x1ad: {  	v3 =	vor.u32 v3, v4  }
0x1ae: {  	v4 =	vperm.xlane v3, v0;
	_ =	sdelay $0x1  }
0x1af: {  	v3 =	vperm.xlane v3, v2;
	v4 =	vadd.s32 v1, v4;
	_ =	sdelay $0x1  }
0x1b0: {  	v3 =	vadd.s32 v1, v3;
	_ =	sdelay $0x1  }
0x1b1: {  	s20 =	simm.s32 $0xC400  }
0x1b2: {  	[tilespmem:s20], [sflag:$0x2] =	stream.indirect_vreg.gather [hbm4b:s3+s2], $0x80, v4, vm0, $0xb8;
	[tilespmem:$0x12680] =	vst v63  }
0x1b3: {  	s9 =	simm.s32 $0xCC00  }
0x1b4: {  	[tilespmem:s9], [sflag:$0x2] =	stream.indirect_vreg.gather [hbm4b:s3+s2], $0x80, v3, vm0, $0xb8;
	[tilespmem:$0x12680] =	vst v63  }
0x1b5: {  	v3 =	vld [tilespmem:$0x1D0];
	_ =	sdelay $0x4  }
0x1b6: {  	v29 =	vshll.u32 v3, $0x1  }
0x1b7: {  	v3 =	vand.u32 $0x7, v3;
	v4 =	vand.u32 $0xFFFFFFF0, v29  }
0x1b8: {  	v3 =	vor.u32 v3, v4  }
0x1b9: {  	v4 =	vperm.xlane v3, v0;
	_ =	sdelay $0x1  }
0x1ba: {  	v3 =	vperm.xlane v3, v2;
	v4 =	vadd.s32 v1, v4;
	_ =	sdelay $0x1  }
0x1bb: {  	v3 =	vadd.s32 v1, v3;
	_ =	sdelay $0x1  }
0x1bc: {  	s26 =	simm.s32 $0xD400  }
0x1bd: {  	[tilespmem:s26], [sflag:$0x2] =	stream.indirect_vreg.gather [hbm4b:s3+s2], $0x80, v4, vm0, $0xb8;
	[tilespmem:$0x12680] =	vst v63  }
0x1be: {  	s28 =	simm.s32 $0xDC00  }
0x1bf: {  	[tilespmem:s28], [sflag:$0x2] =	stream.indirect_vreg.gather [hbm4b:s3+s2], $0x80, v3, vm0, $0xb8;
	[tilespmem:$0x12680] =	vst v63  }
0x1c0: {  	v3 =	vld [tilespmem:$0x1E0];
	_ =	sdelay $0x4  }
0x1c1: {  	v30 =	vshll.u32 v3, $0x1  }
0x1c2: {  	v3 =	vand.u32 $0x7, v3;
	v4 =	vand.u32 $0xFFFFFFF0, v30  }
0x1c3: {  	v3 =	vor.u32 v3, v4  }
0x1c4: {  	v4 =	vperm.xlane v3, v0;
	_ =	sdelay $0x1  }
0x1c5: {  	v3 =	vperm.xlane v3, v2;
	v4 =	vadd.s32 v1, v4;
	_ =	sdelay $0x1  }
0x1c6: {  	v3 =	vadd.s32 v1, v3;
	_ =	sdelay $0x1  }
0x1c7: {  	s28 =	simm.s32 $0xE400  }
0x1c8: {  	[tilespmem:s28], [sflag:$0x2] =	stream.indirect_vreg.gather [hbm4b:s3+s2], $0x80, v4, vm0, $0xb8;
	[tilespmem:$0x12680] =	vst v63  }
0x1c9: {  	s29 =	simm.s32 $0xEC00  }
0x1ca: {  	[tilespmem:s29], [sflag:$0x2] =	stream.indirect_vreg.gather [hbm4b:s3+s2], $0x80, v3, vm0, $0xb8;
	[tilespmem:$0x12680] =	vst v63  }
0x1cb: {  	v3 =	vld [tilespmem:$0x1F0];
	_ =	sdelay $0x4  }
0x1cc: {  	v31 =	vshll.u32 v3, $0x1  }
0x1cd: {  	v3 =	vand.u32 $0x7, v3;
	v4 =	vand.u32 $0xFFFFFFF0, v31  }
0x1ce: {  	v3 =	vor.u32 v3, v4  }
0x1cf: {  	v4 =	vperm.xlane v3, v0;
	_ =	sdelay $0x1  }
0x1d0: {  	v3 =	vperm.xlane v3, v2;
	v4 =	vadd.s32 v1, v4;
	_ =	sdelay $0x1  }
0x1d1: {  	v3 =	vadd.s32 v1, v3;
	_ =	sdelay $0x1  }
0x1d2: {  	s29 =	simm.s32 $0xF400  }
0x1d3: {  	[tilespmem:s29], [sflag:$0x2] =	stream.indirect_vreg.gather [hbm4b:s3+s2], $0x80, v4, vm0, $0xb8;
	[tilespmem:$0x12680] =	vst v63  }
0x1d4: {  	s19 =	simm.s32 $0xFC00  }
0x1d5: {  	[tilespmem:s19], [sflag:$0x2] =	stream.indirect_vreg.gather [hbm4b:s3+s2], $0x80, v3, vm0, $0xb8;
	[tilespmem:$0x12680] =	vst v63  }
0x1d6: {  	_ =	swait.ge [sflag:s23], $0x8000  }
0x1d7: {  	[sflag:s23] =	ssyncset.done $0x0  }
0x1d8: {  	s19 =	rddreg [dreg:$0x11];
	[sflag:s23] =	ssyncadd.s32 $0xFFFF8000  }
0x1d9: {  	[hbm4b:s19+s2] =	stream.linear.scatter [tilespmem:s31], [sflag:$0x3], $0x8000, $0x38;
	[tilespmem:$0x12680] =	vst v63  }
0x1da: {  	_ =	swait.ge [sflag:s5], $0x8000  }
0x1db: {  	[sflag:s5] =	ssyncset.done $0x0  }
0x1dc: {  	[sflag:s5] =	ssyncadd.s32 $0xFFFF8000  }
0x1dd: {  	v3 =	vld [tilespmem:$0x200];
	_ =	sdelay $0x4  }
0x1de: {  	v32 =	vshll.u32 v3, $0x1  }
0x1df: {  	v3 =	vand.u32 $0x7, v3;
	v4 =	vand.u32 $0xFFFFFFF0, v32  }
0x1e0: {  	v3 =	vor.u32 v3, v4  }
0x1e1: {  	v4 =	vperm.xlane v3, v0;
	_ =	sdelay $0x1  }
0x1e2: {  	v3 =	vperm.xlane v3, v2;
	v4 =	vadd.s32 v1, v4;
	_ =	sdelay $0x1  }
0x1e3: {  	v3 =	vadd.s32 v1, v3;
	_ =	sdelay $0x2  }
0x1e4: {  	[tilespmem:s31], [sflag:$0x1] =	stream.indirect_vreg.gather [hbm4b:s3+s2], $0x80, v4, vm0, $0xb8;
	[tilespmem:$0x12680] =	vst v63  }
0x1e5: {  	s20 =	simm.s32 $0xC00  }
0x1e6: {  	[tilespmem:s20], [sflag:$0x1] =	stream.indirect_vreg.gather [hbm4b:s3+s2], $0x80, v3, vm0, $0xb8;
	[tilespmem:$0x12680] =	vst v63  }
0x1e7: {  	v3 =	vld [tilespmem:$0x210];
	_ =	sdelay $0x4  }
0x1e8: {  	v33 =	vshll.u32 v3, $0x1  }
0x1e9: {  	v3 =	vand.u32 $0x7, v3;
	v4 =	vand.u32 $0xFFFFFFF0, v33  }
0x1ea: {  	v3 =	vor.u32 v3, v4  }
0x1eb: {  	v4 =	vperm.xlane v3, v0;
	_ =	sdelay $0x1  }
0x1ec: {  	v3 =	vperm.xlane v3, v2;
	v4 =	vadd.s32 v1, v4;
	_ =	sdelay $0x1  }
0x1ed: {  	v3 =	vadd.s32 v1, v3;
	_ =	sdelay $0x2  }
0x1ee: {  	[tilespmem:s21], [sflag:$0x1] =	stream.indirect_vreg.gather [hbm4b:s3+s2], $0x80, v4, vm0, $0xb8;
	[tilespmem:$0x12680] =	vst v63  }
0x1ef: {  	s21 =	simm.s32 $0x1C00  }
0x1f0: {  	[tilespmem:s21], [sflag:$0x1] =	stream.indirect_vreg.gather [hbm4b:s3+s2], $0x80, v3, vm0, $0xb8;
	[tilespmem:$0x12680] =	vst v63  }
0x1f1: {  	v3 =	vld [tilespmem:$0x220];
	_ =	sdelay $0x4  }
0x1f2: {  	v34 =	vshll.u32 v3, $0x1  }
0x1f3: {  	v3 =	vand.u32 $0x7, v3;
	v4 =	vand.u32 $0xFFFFFFF0, v34  }
0x1f4: {  	v3 =	vor.u32 v3, v4  }
0x1f5: {  	v4 =	vperm.xlane v3, v0;
	_ =	sdelay $0x1  }
0x1f6: {  	v3 =	vperm.xlane v3, v2;
	v4 =	vadd.s32 v1, v4;
	_ =	sdelay $0x1  }
0x1f7: {  	v3 =	vadd.s32 v1, v3;
	_ =	sdelay $0x2  }
0x1f8: {  	[tilespmem:s22], [sflag:$0x1] =	stream.indirect_vreg.gather [hbm4b:s3+s2], $0x80, v4, vm0, $0xb8;
	[tilespmem:$0x12680] =	vst v63  }
0x1f9: {  	s22 =	simm.s32 $0x2C00  }
0x1fa: {  	[tilespmem:s22], [sflag:$0x1] =	stream.indirect_vreg.gather [hbm4b:s3+s2], $0x80, v3, vm0, $0xb8;
	[tilespmem:$0x12680] =	vst v63  }
0x1fb: {  	v3 =	vld [tilespmem:$0x230];
	_ =	sdelay $0x4  }
0x1fc: {  	v35 =	vshll.u32 v3, $0x1  }
0x1fd: {  	v3 =	vand.u32 $0x7, v3;
	v4 =	vand.u32 $0xFFFFFFF0, v35  }
0x1fe: {  	v3 =	vor.u32 v3, v4  }
0x1ff: {  	v4 =	vperm.xlane v3, v0;
	_ =	sdelay $0x1  }
0x200: {  	v3 =	vperm.xlane v3, v2;
	v4 =	vadd.s32 v1, v4;
	_ =	sdelay $0x1  }
0x201: {  	v3 =	vadd.s32 v1, v3;
	_ =	sdelay $0x1  }
0x202: {  	s26 =	simm.s32 $0x3400  }
0x203: {  	[tilespmem:s26], [sflag:$0x1] =	stream.indirect_vreg.gather [hbm4b:s3+s2], $0x80, v4, vm0, $0xb8;
	[tilespmem:$0x12680] =	vst v63  }
0x204: {  	s22 =	simm.s32 $0x3C00  }
0x205: {  	[tilespmem:s22], [sflag:$0x1] =	stream.indirect_vreg.gather [hbm4b:s3+s2], $0x80, v3, vm0, $0xb8;
	[tilespmem:$0x12680] =	vst v63  }
0x206: {  	v3 =	vld [tilespmem:$0x240];
	_ =	sdelay $0x4  }
0x207: {  	v36 =	vshll.u32 v3, $0x1  }
0x208: {  	v3 =	vand.u32 $0x7, v3;
	v4 =	vand.u32 $0xFFFFFFF0, v36  }
0x209: {  	v3 =	vor.u32 v3, v4  }
0x20a: {  	v4 =	vperm.xlane v3, v0;
	_ =	sdelay $0x1  }
0x20b: {  	v3 =	vperm.xlane v3, v2;
	v4 =	vadd.s32 v1, v4;
	_ =	sdelay $0x1  }
0x20c: {  	v3 =	vadd.s32 v1, v3;
	_ =	sdelay $0x2  }
0x20d: {  	[tilespmem:s0], [sflag:$0x1] =	stream.indirect_vreg.gather [hbm4b:s3+s2], $0x80, v4, vm0, $0xb8;
	[tilespmem:$0x12680] =	vst v63  }
0x20e: {  	s26 =	simm.s32 $0x4C00  }
0x20f: {  	[tilespmem:s26], [sflag:$0x1] =	stream.indirect_vreg.gather [hbm4b:s3+s2], $0x80, v3, vm0, $0xb8;
	[tilespmem:$0x12680] =	vst v63  }
0x210: {  	v3 =	vld [tilespmem:$0x250];
	_ =	sdelay $0x4  }
0x211: {  	v37 =	vshll.u32 v3, $0x1  }
0x212: {  	v3 =	vand.u32 $0x7, v3;
	v4 =	vand.u32 $0xFFFFFFF0, v37  }
0x213: {  	v3 =	vor.u32 v3, v4  }
0x214: {  	v4 =	vperm.xlane v3, v0;
	_ =	sdelay $0x1  }
0x215: {  	v3 =	vperm.xlane v3, v2;
	v4 =	vadd.s32 v1, v4;
	_ =	sdelay $0x1  }
0x216: {  	v3 =	vadd.s32 v1, v3;
	_ =	sdelay $0x2  }
0x217: {  	[tilespmem:s10], [sflag:$0x1] =	stream.indirect_vreg.gather [hbm4b:s3+s2], $0x80, v4, vm0, $0xb8;
	[tilespmem:$0x12680] =	vst v63  }
0x218: {  	_ = 	snop  }
0x219: {  	[tilespmem:s15], [sflag:$0x1] =	stream.indirect_vreg.gather [hbm4b:s3+s2], $0x80, v3, vm0, $0xb8;
	[tilespmem:$0x12680] =	vst v63  }
0x21a: {  	v3 =	vld [tilespmem:$0x260];
	_ =	sdelay $0x4  }
0x21b: {  	v38 =	vshll.u32 v3, $0x1  }
0x21c: {  	v3 =	vand.u32 $0x7, v3;
	v4 =	vand.u32 $0xFFFFFFF0, v38  }
0x21d: {  	v3 =	vor.u32 v3, v4  }
0x21e: {  	v4 =	vperm.xlane v3, v0;
	_ =	sdelay $0x1  }
0x21f: {  	v3 =	vperm.xlane v3, v2;
	v4 =	vadd.s32 v1, v4;
	_ =	sdelay $0x1  }
0x220: {  	v3 =	vadd.s32 v1, v3;
	_ =	sdelay $0x2  }
0x221: {  	[tilespmem:s11], [sflag:$0x1] =	stream.indirect_vreg.gather [hbm4b:s3+s2], $0x80, v4, vm0, $0xb8;
	[tilespmem:$0x12680] =	vst v63  }
0x222: {  	_ = 	snop  }
0x223: {  	[tilespmem:s16], [sflag:$0x1] =	stream.indirect_vreg.gather [hbm4b:s3+s2], $0x80, v3, vm0, $0xb8;
	[tilespmem:$0x12680] =	vst v63  }
0x224: {  	v3 =	vld [tilespmem:$0x270];
	_ =	sdelay $0x4  }
0x225: {  	v39 =	vshll.u32 v3, $0x1  }
0x226: {  	v3 =	vand.u32 $0x7, v3;
	v4 =	vand.u32 $0xFFFFFFF0, v39  }
0x227: {  	v3 =	vor.u32 v3, v4  }
0x228: {  	v4 =	vperm.xlane v3, v0;
	_ =	sdelay $0x1  }
0x229: {  	v3 =	vperm.xlane v3, v2;
	v4 =	vadd.s32 v1, v4;
	_ =	sdelay $0x1  }
0x22a: {  	v3 =	vadd.s32 v1, v3;
	_ =	sdelay $0x2  }
0x22b: {  	[tilespmem:s12], [sflag:$0x1] =	stream.indirect_vreg.gather [hbm4b:s3+s2], $0x80, v4, vm0, $0xb8;
	[tilespmem:$0x12680] =	vst v63  }
0x22c: {  	_ = 	snop  }
0x22d: {  	[tilespmem:s17], [sflag:$0x1] =	stream.indirect_vreg.gather [hbm4b:s3+s2], $0x80, v3, vm0, $0xb8;
	[tilespmem:$0x12680] =	vst v63  }
0x22e: {  	_ =	swait.ge [sflag:s24], $0x8000  }
0x22f: {  	[sflag:s24] =	ssyncset.done $0x0  }
0x230: {  	s10 =	rddreg [dreg:$0x12];
	[sflag:s24] =	ssyncadd.s32 $0xFFFF8000  }
0x231: {  	[hbm4b:s10+s2] =	stream.linear.scatter [tilespmem:s6], [sflag:$0x3], $0x8000, $0x38;
	[tilespmem:$0x12680] =	vst v63  }
0x232: {  	_ =	swait.ge [sflag:s5], $0x8000  }
0x233: {  	[sflag:s5] =	ssyncset.done $0x0  }
0x234: {  	[sflag:s5] =	ssyncadd.s32 $0xFFFF8000  }
0x235: {  	v3 =	vld [tilespmem:$0x280];
	_ =	sdelay $0x4  }
0x236: {  	v40 =	vshll.u32 v3, $0x1  }
0x237: {  	v3 =	vand.u32 $0x7, v3;
	v4 =	vand.u32 $0xFFFFFFF0, v40  }
0x238: {  	v3 =	vor.u32 v3, v4  }
0x239: {  	v4 =	vperm.xlane v3, v0;
	_ =	sdelay $0x1  }
0x23a: {  	v3 =	vperm.xlane v3, v2;
	v4 =	vadd.s32 v1, v4;
	_ =	sdelay $0x1  }
0x23b: {  	v3 =	vadd.s32 v1, v3;
	_ =	sdelay $0x2  }
0x23c: {  	[tilespmem:s6], [sflag:$0x2] =	stream.indirect_vreg.gather [hbm4b:s3+s2], $0x80, v4, vm0, $0xb8;
	[tilespmem:$0x12680] =	vst v63  }
0x23d: {  	s22 =	simm.s32 $0x8C00  }
0x23e: {  	[tilespmem:s22], [sflag:$0x2] =	stream.indirect_vreg.gather [hbm4b:s3+s2], $0x80, v3, vm0, $0xb8;
	[tilespmem:$0x12680] =	vst v63  }
0x23f: {  	v3 =	vld [tilespmem:$0x290];
	_ =	sdelay $0x4  }
0x240: {  	v41 =	vshll.u32 v3, $0x1  }
0x241: {  	v3 =	vand.u32 $0x7, v3;
	v4 =	vand.u32 $0xFFFFFFF0, v41  }
0x242: {  	v3 =	vor.u32 v3, v4  }
0x243: {  	v4 =	vperm.xlane v3, v0;
	_ =	sdelay $0x1  }
0x244: {  	v3 =	vperm.xlane v3, v2;
	v4 =	vadd.s32 v1, v4;
	_ =	sdelay $0x1  }
0x245: {  	v3 =	vadd.s32 v1, v3;
	_ =	sdelay $0x2  }
0x246: {  	[tilespmem:s14], [sflag:$0x2] =	stream.indirect_vreg.gather [hbm4b:s3+s2], $0x80, v4, vm0, $0xb8;
	[tilespmem:$0x12680] =	vst v63  }
0x247: {  	s26 =	simm.s32 $0x9C00  }
0x248: {  	[tilespmem:s26], [sflag:$0x2] =	stream.indirect_vreg.gather [hbm4b:s3+s2], $0x80, v3, vm0, $0xb8;
	[tilespmem:$0x12680] =	vst v63  }
0x249: {  	v3 =	vld [tilespmem:$0x2A0];
	_ =	sdelay $0x4  }
0x24a: {  	v42 =	vshll.u32 v3, $0x1  }
0x24b: {  	v3 =	vand.u32 $0x7, v3;
	v4 =	vand.u32 $0xFFFFFFF0, v42  }
0x24c: {  	v3 =	vor.u32 v3, v4  }
0x24d: {  	v4 =	vperm.xlane v3, v0;
	_ =	sdelay $0x1  }
0x24e: {  	v3 =	vperm.xlane v3, v2;
	v4 =	vadd.s32 v1, v4;
	_ =	sdelay $0x1  }
0x24f: {  	v3 =	vadd.s32 v1, v3;
	_ =	sdelay $0x1  }
0x250: {  	s30 =	simm.s32 $0xA400  }
0x251: {  	[tilespmem:s30], [sflag:$0x2] =	stream.indirect_vreg.gather [hbm4b:s3+s2], $0x80, v4, vm0, $0xb8;
	[tilespmem:$0x12680] =	vst v63  }
0x252: {  	s30 =	simm.s32 $0xAC00  }
0x253: {  	[tilespmem:s30], [sflag:$0x2] =	stream.indirect_vreg.gather [hbm4b:s3+s2], $0x80, v3, vm0, $0xb8;
	[tilespmem:$0x12680] =	vst v63  }
0x254: {  	v3 =	vld [tilespmem:$0x2B0];
	_ =	sdelay $0x4  }
0x255: {  	v43 =	vshll.u32 v3, $0x1  }
0x256: {  	v3 =	vand.u32 $0x7, v3;
	v4 =	vand.u32 $0xFFFFFFF0, v43  }
0x257: {  	v3 =	vor.u32 v3, v4  }
0x258: {  	v4 =	vperm.xlane v3, v0;
	_ =	sdelay $0x1  }
0x259: {  	v3 =	vperm.xlane v3, v2;
	v4 =	vadd.s32 v1, v4;
	_ =	sdelay $0x1  }
0x25a: {  	v3 =	vadd.s32 v1, v3;
	_ =	sdelay $0x1  }
0x25b: {  	s7 =	simm.s32 $0xB400  }
0x25c: {  	[tilespmem:s7], [sflag:$0x2] =	stream.indirect_vreg.gather [hbm4b:s3+s2], $0x80, v4, vm0, $0xb8;
	[tilespmem:$0x12680] =	vst v63  }
0x25d: {  	s26 =	simm.s32 $0xBC00  }
0x25e: {  	[tilespmem:s26], [sflag:$0x2] =	stream.indirect_vreg.gather [hbm4b:s3+s2], $0x80, v3, vm0, $0xb8;
	[tilespmem:$0x12680] =	vst v63  }
0x25f: {  	v3 =	vld [tilespmem:$0x2C0];
	_ =	sdelay $0x4  }
0x260: {  	v44 =	vshll.u32 v3, $0x1  }
0x261: {  	v3 =	vand.u32 $0x7, v3;
	v4 =	vand.u32 $0xFFFFFFF0, v44  }
0x262: {  	v3 =	vor.u32 v3, v4  }
0x263: {  	v4 =	vperm.xlane v3, v0;
	_ =	sdelay $0x1  }
0x264: {  	v3 =	vperm.xlane v3, v2;
	v4 =	vadd.s32 v1, v4;
	_ =	sdelay $0x1  }
0x265: {  	v3 =	vadd.s32 v1, v3;
	_ =	sdelay $0x1  }
0x266: {  	s8 =	simm.s32 $0xC400  }
0x267: {  	[tilespmem:s8], [sflag:$0x2] =	stream.indirect_vreg.gather [hbm4b:s3+s2], $0x80, v4, vm0, $0xb8;
	[tilespmem:$0x12680] =	vst v63  }
0x268: {  	s26 =	simm.s32 $0xCC00  }
0x269: {  	[tilespmem:s26], [sflag:$0x2] =	stream.indirect_vreg.gather [hbm4b:s3+s2], $0x80, v3, vm0, $0xb8;
	[tilespmem:$0x12680] =	vst v63  }
0x26a: {  	v3 =	vld [tilespmem:$0x2D0];
	_ =	sdelay $0x4  }
0x26b: {  	v45 =	vshll.u32 v3, $0x1  }
0x26c: {  	v3 =	vand.u32 $0x7, v3;
	v4 =	vand.u32 $0xFFFFFFF0, v45  }
0x26d: {  	v3 =	vor.u32 v3, v4  }
0x26e: {  	v4 =	vperm.xlane v3, v0;
	_ =	sdelay $0x1  }
0x26f: {  	v3 =	vperm.xlane v3, v2;
	v4 =	vadd.s32 v1, v4;
	_ =	sdelay $0x1  }
0x270: {  	v3 =	vadd.s32 v1, v3;
	_ =	sdelay $0x1  }
0x271: {  	s9 =	simm.s32 $0xD400  }
0x272: {  	[tilespmem:s9], [sflag:$0x2] =	stream.indirect_vreg.gather [hbm4b:s3+s2], $0x80, v4, vm0, $0xb8;
	[tilespmem:$0x12680] =	vst v63  }
0x273: {  	s26 =	simm.s32 $0xDC00  }
0x274: {  	[tilespmem:s26], [sflag:$0x2] =	stream.indirect_vreg.gather [hbm4b:s3+s2], $0x80, v3, vm0, $0xb8;
	[tilespmem:$0x12680] =	vst v63  }
0x275: {  	v3 =	vld [tilespmem:$0x2E0];
	_ =	sdelay $0x4  }
0x276: {  	v46 =	vshll.u32 v3, $0x1  }
0x277: {  	v3 =	vand.u32 $0x7, v3;
	v4 =	vand.u32 $0xFFFFFFF0, v46  }
0x278: {  	v3 =	vor.u32 v3, v4  }
0x279: {  	v4 =	vperm.xlane v3, v0;
	_ =	sdelay $0x1  }
0x27a: {  	v3 =	vperm.xlane v3, v2;
	v4 =	vadd.s32 v1, v4;
	_ =	sdelay $0x1  }
0x27b: {  	v3 =	vadd.s32 v1, v3;
	_ =	sdelay $0x1  }
0x27c: {  	s28 =	simm.s32 $0xE400  }
0x27d: {  	[tilespmem:s28], [sflag:$0x2] =	stream.indirect_vreg.gather [hbm4b:s3+s2], $0x80, v4, vm0, $0xb8;
	[tilespmem:$0x12680] =	vst v63  }
0x27e: {  	s28 =	simm.s32 $0xEC00  }
0x27f: {  	[tilespmem:s28], [sflag:$0x2] =	stream.indirect_vreg.gather [hbm4b:s3+s2], $0x80, v3, vm0, $0xb8;
	[tilespmem:$0x12680] =	vst v63  }
0x280: {  	v3 =	vld [tilespmem:$0x2F0];
	_ =	sdelay $0x4  }
0x281: {  	v47 =	vshll.u32 v3, $0x1  }
0x282: {  	v3 =	vand.u32 $0x7, v3;
	v4 =	vand.u32 $0xFFFFFFF0, v47  }
0x283: {  	v3 =	vor.u32 v3, v4  }
0x284: {  	v4 =	vperm.xlane v3, v0;
	_ =	sdelay $0x1  }
0x285: {  	v3 =	vperm.xlane v3, v2;
	v4 =	vadd.s32 v1, v4;
	_ =	sdelay $0x1  }
0x286: {  	v3 =	vadd.s32 v1, v3;
	_ =	sdelay $0x1  }
0x287: {  	s29 =	simm.s32 $0xF400  }
0x288: {  	[tilespmem:s29], [sflag:$0x2] =	stream.indirect_vreg.gather [hbm4b:s3+s2], $0x80, v4, vm0, $0xb8;
	[tilespmem:$0x12680] =	vst v63  }
0x289: {  	s29 =	simm.s32 $0xFC00  }
0x28a: {  	[tilespmem:s29], [sflag:$0x2] =	stream.indirect_vreg.gather [hbm4b:s3+s2], $0x80, v3, vm0, $0xb8;
	[tilespmem:$0x12680] =	vst v63  }
0x28b: {  	_ =	swait.ge [sflag:s23], $0x8000  }
0x28c: {  	[sflag:s23] =	ssyncset.done $0x0  }
0x28d: {  	s26 =	rddreg [dreg:$0x13];
	[sflag:s23] =	ssyncadd.s32 $0xFFFF8000  }
0x28e: {  	[hbm4b:s26+s2] =	stream.linear.scatter [tilespmem:s31], [sflag:$0x3], $0x8000, $0x38;
	[tilespmem:$0x12680] =	vst v63  }
0x28f: {  	_ =	swait.ge [sflag:s5], $0x8000  }
0x290: {  	[sflag:s5] =	ssyncset.done $0x0  }
0x291: {  	[sflag:s5] =	ssyncadd.s32 $0xFFFF8000  }
0x292: {  	v3 =	vld [tilespmem:$0x300];
	_ =	sdelay $0x4  }
0x293: {  	v48 =	vshll.u32 v3, $0x1  }
0x294: {  	v3 =	vand.u32 $0x7, v3;
	v4 =	vand.u32 $0xFFFFFFF0, v48  }
0x295: {  	v3 =	vor.u32 v3, v4  }
0x296: {  	v4 =	vperm.xlane v3, v0;
	_ =	sdelay $0x1  }
0x297: {  	v3 =	vperm.xlane v3, v2;
	v4 =	vadd.s32 v1, v4;
	_ =	sdelay $0x1  }
0x298: {  	v3 =	vadd.s32 v1, v3;
	_ =	sdelay $0x2  }
0x299: {  	[tilespmem:s31], [sflag:$0x1] =	stream.indirect_vreg.gather [hbm4b:s3+s2], $0x80, v4, vm0, $0xb8;
	[tilespmem:$0x12680] =	vst v63  }
0x29a: {  	s26 =	simm.s32 $0xC00  }
0x29b: {  	[tilespmem:s26], [sflag:$0x1] =	stream.indirect_vreg.gather [hbm4b:s3+s2], $0x80, v3, vm0, $0xb8;
	[tilespmem:$0x12680] =	vst v63  }
0x29c: {  	v3 =	vld [tilespmem:$0x310];
	_ =	sdelay $0x4  }
0x29d: {  	v49 =	vshll.u32 v3, $0x1  }
0x29e: {  	v3 =	vand.u32 $0x7, v3;
	v4 =	vand.u32 $0xFFFFFFF0, v49  }
0x29f: {  	v3 =	vor.u32 v3, v4  }
0x2a0: {  	v4 =	vperm.xlane v3, v0;
	_ =	sdelay $0x1  }
0x2a1: {  	v3 =	vperm.xlane v3, v2;
	v4 =	vadd.s32 v1, v4;
	_ =	sdelay $0x1  }
0x2a2: {  	v3 =	vadd.s32 v1, v3;
	_ =	sdelay $0x1  }
0x2a3: {  	s19 =	simm.s32 $0x1400  }
0x2a4: {  	[tilespmem:s19], [sflag:$0x1] =	stream.indirect_vreg.gather [hbm4b:s3+s2], $0x80, v4, vm0, $0xb8;
	[tilespmem:$0x12680] =	vst v63  }
0x2a5: {  	s26 =	simm.s32 $0x1C00  }
0x2a6: {  	[tilespmem:s26], [sflag:$0x1] =	stream.indirect_vreg.gather [hbm4b:s3+s2], $0x80, v3, vm0, $0xb8;
	[tilespmem:$0x12680] =	vst v63  }
0x2a7: {  	v3 =	vld [tilespmem:$0x320];
	_ =	sdelay $0x4  }
0x2a8: {  	v50 =	vshll.u32 v3, $0x1  }
0x2a9: {  	v3 =	vand.u32 $0x7, v3;
	v4 =	vand.u32 $0xFFFFFFF0, v50  }
0x2aa: {  	v3 =	vor.u32 v3, v4  }
0x2ab: {  	v4 =	vperm.xlane v3, v0;
	_ =	sdelay $0x1  }
0x2ac: {  	v3 =	vperm.xlane v3, v2;
	v4 =	vadd.s32 v1, v4;
	_ =	sdelay $0x1  }
0x2ad: {  	v3 =	vadd.s32 v1, v3;
	_ =	sdelay $0x1  }
0x2ae: {  	s20 =	simm.s32 $0x2400  }
0x2af: {  	[tilespmem:s20], [sflag:$0x1] =	stream.indirect_vreg.gather [hbm4b:s3+s2], $0x80, v4, vm0, $0xb8;
	[tilespmem:$0x12680] =	vst v63  }
0x2b0: {  	s20 =	simm.s32 $0x2C00  }
0x2b1: {  	[tilespmem:s20], [sflag:$0x1] =	stream.indirect_vreg.gather [hbm4b:s3+s2], $0x80, v3, vm0, $0xb8;
	[tilespmem:$0x12680] =	vst v63  }
0x2b2: {  	v3 =	vld [tilespmem:$0x330];
	_ =	sdelay $0x4  }
0x2b3: {  	v51 =	vshll.u32 v3, $0x1  }
0x2b4: {  	v3 =	vand.u32 $0x7, v3;
	v4 =	vand.u32 $0xFFFFFFF0, v51  }
0x2b5: {  	v3 =	vor.u32 v3, v4  }
0x2b6: {  	v4 =	vperm.xlane v3, v0;
	_ =	sdelay $0x1  }
0x2b7: {  	v3 =	vperm.xlane v3, v2;
	v4 =	vadd.s32 v1, v4;
	_ =	sdelay $0x1  }
0x2b8: {  	v3 =	vadd.s32 v1, v3;
	_ =	sdelay $0x1  }
0x2b9: {  	s26 =	simm.s32 $0x3400  }
0x2ba: {  	[tilespmem:s26], [sflag:$0x1] =	stream.indirect_vreg.gather [hbm4b:s3+s2], $0x80, v4, vm0, $0xb8;
	[tilespmem:$0x12680] =	vst v63  }
0x2bb: {  	s20 =	simm.s32 $0x3C00  }
0x2bc: {  	[tilespmem:s20], [sflag:$0x1] =	stream.indirect_vreg.gather [hbm4b:s3+s2], $0x80, v3, vm0, $0xb8;
	[tilespmem:$0x12680] =	vst v63  }
0x2bd: {  	v3 =	vld [tilespmem:$0x340];
	_ =	sdelay $0x4  }
0x2be: {  	v52 =	vshll.u32 v3, $0x1  }
0x2bf: {  	v3 =	vand.u32 $0x7, v3;
	v4 =	vand.u32 $0xFFFFFFF0, v52  }
0x2c0: {  	v3 =	vor.u32 v3, v4  }
0x2c1: {  	v4 =	vperm.xlane v3, v0;
	_ =	sdelay $0x1  }
0x2c2: {  	v3 =	vperm.xlane v3, v2;
	v4 =	vadd.s32 v1, v4;
	_ =	sdelay $0x1  }
0x2c3: {  	v3 =	vadd.s32 v1, v3;
	_ =	sdelay $0x1  }
0x2c4: {  	s0 =	simm.s32 $0x4400  }
0x2c5: {  	[tilespmem:s0], [sflag:$0x1] =	stream.indirect_vreg.gather [hbm4b:s3+s2], $0x80, v4, vm0, $0xb8;
	[tilespmem:$0x12680] =	vst v63  }
0x2c6: {  	s26 =	simm.s32 $0x4C00  }
0x2c7: {  	[tilespmem:s26], [sflag:$0x1] =	stream.indirect_vreg.gather [hbm4b:s3+s2], $0x80, v3, vm0, $0xb8;
	[tilespmem:$0x12680] =	vst v63  }
0x2c8: {  	v3 =	vld [tilespmem:$0x350];
	_ =	sdelay $0x4  }
0x2c9: {  	v53 =	vshll.u32 v3, $0x1  }
0x2ca: {  	v3 =	vand.u32 $0x7, v3;
	v4 =	vand.u32 $0xFFFFFFF0, v53  }
0x2cb: {  	v3 =	vor.u32 v3, v4  }
0x2cc: {  	v4 =	vperm.xlane v3, v0;
	_ =	sdelay $0x1  }
0x2cd: {  	v3 =	vperm.xlane v3, v2;
	v4 =	vadd.s32 v1, v4;
	_ =	sdelay $0x1  }
0x2ce: {  	v3 =	vadd.s32 v1, v3;
	_ =	sdelay $0x1  }
0x2cf: {  	s21 =	simm.s32 $0x5400  }
0x2d0: {  	[tilespmem:s21], [sflag:$0x1] =	stream.indirect_vreg.gather [hbm4b:s3+s2], $0x80, v4, vm0, $0xb8;
	[tilespmem:$0x12680] =	vst v63  }
0x2d1: {  	s15 =	simm.s32 $0x5C00  }
0x2d2: {  	[tilespmem:s15], [sflag:$0x1] =	stream.indirect_vreg.gather [hbm4b:s3+s2], $0x80, v3, vm0, $0xb8;
	[tilespmem:$0x12680] =	vst v63  }
0x2d3: {  	v3 =	vld [tilespmem:$0x360];
	_ =	sdelay $0x4  }
0x2d4: {  	v54 =	vshll.u32 v3, $0x1  }
0x2d5: {  	v3 =	vand.u32 $0x7, v3;
	v4 =	vand.u32 $0xFFFFFFF0, v54  }
0x2d6: {  	v3 =	vor.u32 v3, v4  }
0x2d7: {  	v4 =	vperm.xlane v3, v0;
	_ =	sdelay $0x1  }
0x2d8: {  	v3 =	vperm.xlane v3, v2;
	v4 =	vadd.s32 v1, v4;
	_ =	sdelay $0x1  }
0x2d9: {  	v3 =	vadd.s32 v1, v3;
	_ =	sdelay $0x1  }
0x2da: {  	s11 =	simm.s32 $0x6400  }
0x2db: {  	[tilespmem:s11], [sflag:$0x1] =	stream.indirect_vreg.gather [hbm4b:s3+s2], $0x80, v4, vm0, $0xb8;
	[tilespmem:$0x12680] =	vst v63  }
0x2dc: {  	s16 =	simm.s32 $0x6C00  }
0x2dd: {  	[tilespmem:s16], [sflag:$0x1] =	stream.indirect_vreg.gather [hbm4b:s3+s2], $0x80, v3, vm0, $0xb8;
	[tilespmem:$0x12680] =	vst v63  }
0x2de: {  	v3 =	vld [tilespmem:$0x370];
	_ =	sdelay $0x4  }
0x2df: {  	v55 =	vshll.u32 v3, $0x1  }
0x2e0: {  	v3 =	vand.u32 $0x7, v3;
	v4 =	vand.u32 $0xFFFFFFF0, v55  }
0x2e1: {  	v3 =	vor.u32 v3, v4  }
0x2e2: {  	v4 =	vperm.xlane v3, v0;
	_ =	sdelay $0x1  }
0x2e3: {  	v3 =	vperm.xlane v3, v2;
	v4 =	vadd.s32 v1, v4;
	_ =	sdelay $0x1  }
0x2e4: {  	v3 =	vadd.s32 v1, v3;
	_ =	sdelay $0x1  }
0x2e5: {  	s12 =	simm.s32 $0x7400  }
0x2e6: {  	[tilespmem:s12], [sflag:$0x1] =	stream.indirect_vreg.gather [hbm4b:s3+s2], $0x80, v4, vm0, $0xb8;
	[tilespmem:$0x12680] =	vst v63  }
0x2e7: {  	s17 =	simm.s32 $0x7C00  }
0x2e8: {  	[tilespmem:s17], [sflag:$0x1] =	stream.indirect_vreg.gather [hbm4b:s3+s2], $0x80, v3, vm0, $0xb8;
	[tilespmem:$0x12680] =	vst v63  }
0x2e9: {  	_ =	swait.ge [sflag:s24], $0x8000  }
0x2ea: {  	[sflag:s24] =	ssyncset.done $0x0  }
0x2eb: {  	s16 =	rddreg [dreg:$0x14];
	[sflag:s24] =	ssyncadd.s32 $0xFFFF8000  }
0x2ec: {  	[hbm4b:s16+s2] =	stream.linear.scatter [tilespmem:s6], [sflag:$0x3], $0x8000, $0x38;
	[tilespmem:$0x12680] =	vst v63  }
0x2ed: {  	_ =	swait.ge [sflag:s5], $0x8000  }
0x2ee: {  	[sflag:s5] =	ssyncset.done $0x0  }
0x2ef: {  	[sflag:s5] =	ssyncadd.s32 $0xFFFF8000  }
0x2f0: {  	v3 =	vld [tilespmem:$0x380];
	_ =	sdelay $0x4  }
0x2f1: {  	v56 =	vshll.u32 v3, $0x1  }
0x2f2: {  	v3 =	vand.u32 $0x7, v3;
	v4 =	vand.u32 $0xFFFFFFF0, v56  }
0x2f3: {  	v3 =	vor.u32 v3, v4  }
0x2f4: {  	v4 =	vperm.xlane v3, v0;
	_ =	sdelay $0x1  }
0x2f5: {  	v3 =	vperm.xlane v3, v2;
	v4 =	vadd.s32 v1, v4;
	_ =	sdelay $0x1  }
0x2f6: {  	v3 =	vadd.s32 v1, v3;
	_ =	sdelay $0x2  }
0x2f7: {  	[tilespmem:s6], [sflag:$0x2] =	stream.indirect_vreg.gather [hbm4b:s3+s2], $0x80, v4, vm0, $0xb8;
	[tilespmem:$0x12680] =	vst v63  }
0x2f8: {  	s17 =	simm.s32 $0x8C00  }
0x2f9: {  	[tilespmem:s17], [sflag:$0x2] =	stream.indirect_vreg.gather [hbm4b:s3+s2], $0x80, v3, vm0, $0xb8;
	[tilespmem:$0x12680] =	vst v63  }
0x2fa: {  	v3 =	vld [tilespmem:$0x390];
	_ =	sdelay $0x4  }
0x2fb: {  	v57 =	vshll.u32 v3, $0x1  }
0x2fc: {  	v3 =	vand.u32 $0x7, v3;
	v4 =	vand.u32 $0xFFFFFFF0, v57  }
0x2fd: {  	v3 =	vor.u32 v3, v4  }
0x2fe: {  	v4 =	vperm.xlane v3, v0;
	_ =	sdelay $0x1  }
0x2ff: {  	v3 =	vperm.xlane v3, v2;
	v4 =	vadd.s32 v1, v4;
	_ =	sdelay $0x1  }
0x300: {  	v3 =	vadd.s32 v1, v3;
	_ =	sdelay $0x1  }
0x301: {  	s10 =	simm.s32 $0x9400  }
0x302: {  	[tilespmem:s10], [sflag:$0x2] =	stream.indirect_vreg.gather [hbm4b:s3+s2], $0x80, v4, vm0, $0xb8;
	[tilespmem:$0x12680] =	vst v63  }
0x303: {  	s19 =	simm.s32 $0x9C00  }
0x304: {  	[tilespmem:s19], [sflag:$0x2] =	stream.indirect_vreg.gather [hbm4b:s3+s2], $0x80, v3, vm0, $0xb8;
	[tilespmem:$0x12680] =	vst v63  }
0x305: {  	v3 =	vld [tilespmem:$0x3A0];
	_ =	sdelay $0x4  }
0x306: {  	v58 =	vshll.u32 v3, $0x1  }
0x307: {  	v3 =	vand.u32 $0x7, v3;
	v4 =	vand.u32 $0xFFFFFFF0, v58  }
0x308: {  	v3 =	vor.u32 v3, v4  }
0x309: {  	v4 =	vperm.xlane v3, v0;
	_ =	sdelay $0x1  }
0x30a: {  	v3 =	vperm.xlane v3, v2;
	v4 =	vadd.s32 v1, v4;
	_ =	sdelay $0x1  }
0x30b: {  	v3 =	vadd.s32 v1, v3;
	_ =	sdelay $0x1  }
0x30c: {  	s14 =	simm.s32 $0xA400  }
0x30d: {  	[tilespmem:s14], [sflag:$0x2] =	stream.indirect_vreg.gather [hbm4b:s3+s2], $0x80, v4, vm0, $0xb8;
	[tilespmem:$0x12680] =	vst v63  }
0x30e: {  	s30 =	simm.s32 $0xAC00  }
0x30f: {  	[tilespmem:s30], [sflag:$0x2] =	stream.indirect_vreg.gather [hbm4b:s3+s2], $0x80, v3, vm0, $0xb8;
	[tilespmem:$0x12680] =	vst v63  }
0x310: {  	v3 =	vld [tilespmem:$0x3B0];
	_ =	sdelay $0x4  }
0x311: {  	v59 =	vshll.u32 v3, $0x1  }
0x312: {  	v3 =	vand.u32 $0x7, v3;
	v4 =	vand.u32 $0xFFFFFFF0, v59  }
0x313: {  	v3 =	vor.u32 v3, v4  }
0x314: {  	v4 =	vperm.xlane v3, v0;
	_ =	sdelay $0x1  }
0x315: {  	v3 =	vperm.xlane v3, v2;
	v4 =	vadd.s32 v1, v4;
	_ =	sdelay $0x1  }
0x316: {  	v3 =	vadd.s32 v1, v3;
	_ =	sdelay $0x1  }
0x317: {  	s22 =	simm.s32 $0xB400  }
0x318: {  	[tilespmem:s22], [sflag:$0x2] =	stream.indirect_vreg.gather [hbm4b:s3+s2], $0x80, v4, vm0, $0xb8;
	[tilespmem:$0x12680] =	vst v63  }
0x319: {  	s20 =	simm.s32 $0xBC00  }
0x31a: {  	[tilespmem:s20], [sflag:$0x2] =	stream.indirect_vreg.gather [hbm4b:s3+s2], $0x80, v3, vm0, $0xb8;
	[tilespmem:$0x12680] =	vst v63  }
0x31b: {  	v3 =	vld [tilespmem:$0x3C0];
	_ =	sdelay $0x4  }
0x31c: {  	v60 =	vshll.u32 v3, $0x1  }
0x31d: {  	v3 =	vand.u32 $0x7, v3;
	v4 =	vand.u32 $0xFFFFFFF0, v60  }
0x31e: {  	v3 =	vor.u32 v3, v4  }
0x31f: {  	v4 =	vperm.xlane v3, v0;
	_ =	sdelay $0x1  }
0x320: {  	v3 =	vperm.xlane v3, v2;
	v4 =	vadd.s32 v1, v4;
	_ =	sdelay $0x1  }
0x321: {  	v3 =	vadd.s32 v1, v3;
	_ =	sdelay $0x1  }
0x322: {  	s7 =	simm.s32 $0xC400  }
0x323: {  	[tilespmem:s7], [sflag:$0x2] =	stream.indirect_vreg.gather [hbm4b:s3+s2], $0x80, v4, vm0, $0xb8;
	[tilespmem:$0x12680] =	vst v63  }
0x324: {  	s21 =	simm.s32 $0xCC00  }
0x325: {  	[tilespmem:s21], [sflag:$0x2] =	stream.indirect_vreg.gather [hbm4b:s3+s2], $0x80, v3, vm0, $0xb8;
	[tilespmem:$0x12680] =	vst v63  }
0x326: {  	v3 =	vld [tilespmem:$0x3D0];
	_ =	sdelay $0x4  }
0x327: {  	v61 =	vshll.u32 v3, $0x1  }
0x328: {  	v3 =	vand.u32 $0x7, v3;
	v4 =	vand.u32 $0xFFFFFFF0, v61  }
0x329: {  	v3 =	vor.u32 v3, v4  }
0x32a: {  	v4 =	vperm.xlane v3, v0;
	_ =	sdelay $0x1  }
0x32b: {  	v3 =	vperm.xlane v3, v2;
	v4 =	vadd.s32 v1, v4;
	_ =	sdelay $0x1  }
0x32c: {  	v3 =	vadd.s32 v1, v3;
	_ =	sdelay $0x1  }
0x32d: {  	s8 =	simm.s32 $0xD400  }
0x32e: {  	[tilespmem:s8], [sflag:$0x2] =	stream.indirect_vreg.gather [hbm4b:s3+s2], $0x80, v4, vm0, $0xb8;
	[tilespmem:$0x12680] =	vst v63  }
0x32f: {  	s22 =	simm.s32 $0xDC00  }
0x330: {  	[tilespmem:s22], [sflag:$0x2] =	stream.indirect_vreg.gather [hbm4b:s3+s2], $0x80, v3, vm0, $0xb8;
	[tilespmem:$0x12680] =	vst v63  }
0x331: {  	v3 =	vld [tilespmem:$0x3E0];
	_ =	sdelay $0x4  }
0x332: {  	v62 =	vshll.u32 v3, $0x1  }
0x333: {  	v3 =	vand.u32 $0x7, v3;
	v4 =	vand.u32 $0xFFFFFFF0, v62  }
0x334: {  	v3 =	vor.u32 v3, v4  }
0x335: {  	v4 =	vperm.xlane v3, v0;
	_ =	sdelay $0x1  }
0x336: {  	v3 =	vperm.xlane v3, v2;
	v4 =	vadd.s32 v1, v4;
	_ =	sdelay $0x1  }
0x337: {  	v3 =	vadd.s32 v1, v3;
	_ =	sdelay $0x1  }
0x338: {  	s9 =	simm.s32 $0xE400  }
0x339: {  	[tilespmem:s9], [sflag:$0x2] =	stream.indirect_vreg.gather [hbm4b:s3+s2], $0x80, v4, vm0, $0xb8;
	[tilespmem:$0x12680] =	vst v63  }
0x33a: {  	s26 =	simm.s32 $0xEC00  }
0x33b: {  	[tilespmem:s26], [sflag:$0x2] =	stream.indirect_vreg.gather [hbm4b:s3+s2], $0x80, v3, vm0, $0xb8;
	[tilespmem:$0x12680] =	vst v63  }
0x33c: {  	v3 =	vld [tilespmem:$0x3F0];
	_ =	sdelay $0x4  }
0x33d: {  	v63 =	vshll.u32 v3, $0x1  }
0x33e: {  	v3 =	vand.u32 $0x7, v3;
	v4 =	vand.u32 $0xFFFFFFF0, v63  }
0x33f: {  	v3 =	vor.u32 v3, v4  }
0x340: {  	v4 =	vperm.xlane v3, v0;
	_ =	sdelay $0x1  }
0x341: {  	v3 =	vperm.xlane v3, v2;
	v4 =	vadd.s32 v1, v4;
	_ =	sdelay $0x1  }
0x342: {  	v3 =	vadd.s32 v1, v3;
	_ =	sdelay $0x1  }
0x343: {  	s28 =	simm.s32 $0xF400  }
0x344: {  	[tilespmem:s28], [sflag:$0x2] =	stream.indirect_vreg.gather [hbm4b:s3+s2], $0x80, v4, vm0, $0xb8;
	[tilespmem:$0x12680] =	vst v63  }
0x345: {  	s29 =	simm.s32 $0xFC00  }
0x346: {  	[tilespmem:s29], [sflag:$0x2] =	stream.indirect_vreg.gather [hbm4b:s3+s2], $0x80, v3, vm0, $0xb8;
	[tilespmem:$0x12680] =	vst v63  }
0x347: {  	_ =	swait.ge [sflag:s23], $0x8000  }
0x348: {  	[sflag:s23] =	ssyncset.done $0x0  }
0x349: {  	s29 =	rddreg [dreg:$0x15];
	[sflag:s23] =	ssyncadd.s32 $0xFFFF8000  }
0x34a: {  	[hbm4b:s29+s2] =	stream.linear.scatter [tilespmem:s31], [sflag:$0x3], $0x8000, $0x38;
	[tilespmem:$0x12680] =	vst v63  }
0x34b: {  	_ =	swait.ge [sflag:s5], $0x8000  }
0x34c: {  	[sflag:s5] =	ssyncset.done $0x0  }
0x34d: {  	[sflag:s5] =	ssyncadd.s32 $0xFFFF8000  }
0x34e: {  	_ =	swait.ge [sflag:s24], $0x8000  }
0x34f: {  	[sflag:s24] =	ssyncset.done $0x0  }
0x350: {  	s30 =	rddreg [dreg:$0x16];
	[sflag:s24] =	ssyncadd.s32 $0xFFFF8000  }
0x351: {  	[hbm4b:s30+s2] =	stream.linear.scatter [tilespmem:s6], [sflag:$0x3], $0x8000, $0x38;
	[tilespmem:$0x12680] =	vst v63  }
0x352: {  	_ =	swait.ge [sflag:s5], $0x8000  }
0x353: {  	[sflag:s5] =	ssyncset.done $0x0  }
0x354: {  	[sflag:s5] =	ssyncadd.s32 $0xFFFF8000  }
0x355: {  	s4 =	sadd.s32 $0xFFFFFFFF, s4;
	s26 =	simm.s32 @!p0 $0x10480;
	[bflag:$0x0] =	sbarrier.arrive $0xFFFF  }
0x356: {  	[tilespmem:s26], [sflag:$0x3] =	stream.linear.gather @!p0 [spmem:s1], $0x2000, $0x38;
	[tilespmem:$0x12680] =	vst v63  }
0x357: {  	p1 =	sne.s32 s4, $0x0;
	_ =	swait.ge @!p0 [sflag:s25], $0x2000  }
0x358: {  	s29 =	simm.s32 @!p0 $0x80;
	s30 =	simm.s32 @!p0 $0x100;
	[sflag:s25] =	ssyncset.done @!p0 $0x0  }
.Ltmp0:
0x359: {  	s28 =	rddreg [dreg:$0x17];
	[sflag:s25] =	ssyncadd.s32 @!p0 $0xFFFFE000;
	(pc) =	sbr.rel @p1 .LBB2_1-.Ltmp0, $4  }
0x35a: {  	[hbm4b:s28+s29] =	stream.strided.scatter @!p0 [tilespmem:s26], [sflag:$0x3], $0x2000, s30, s29, $0x38;
	[tilespmem:$0x12680] =	vst v63  }
0x35b: {  	_ =	swait.ge @!p0 [sflag:s25], $0x2000  }
0x35c: {  	[sflag:s25] =	ssyncset.done @!p0 $0x0  }
0x35d: {  	[sflag:s25] =	ssyncadd.s32 @!p0 $0xFFFFE000  }
0x35e: {  	_ =	sfence.sel $0x180000  }
0x35f: {  	[bflag:$0x0] =	sbarrier.arrive $0xFFFF  }
0x360: {  	_ =	strace $0x90000047  }
0x361: {  	[bflag:$0x2] =	sbarrier.arrive $0xFFFF  }
0x362: {  	s0 =	rddreg [dreg:$0x4]  }
0x363: {  	s0 =	sadd.s32 @!p0 $0x100000, s0  }
0x364: {  	[sflag:s0] =	ssyncadd.tile.s32 @!p0 $0x1;
	_ =	shalt  }
.Lfunc_end2:
_tile_overlayer_lowered:
.L_overlay_start_2:
0x365: {  	(tag) =	ssettag $0x2  }
0x366: {  	s0 =	rddreg [dreg:$0x0];
	s2 =	stileid.u32  }
0x367: {  	s1 =	rddreg [dreg:$0x1];
	p0 =	sne.s32 s2, $0x0  }
0x368: {  	s3 =	rddreg [dreg:$0x2];
	[bflag:$0x3] =	sbarrier.arrive $0xFFFF;
	s2 =	simm.s32 @!p0 $0x1C03  }
0x369: {  	[timem:s3], [sflag:s2] =	dma.local @!p0 [hbm:s0], s1  }
0x36a: {  	s0 =	simm.s32 @!p0 $0x3  }
0x36b: {  	_ =	swait.ge @!p0 [sflag:s0], s1  }
0x36c: {  	s1 =	ssub.s32 @!p0 $0x0, s1;
	[sflag:s0] =	ssyncset.done @!p0 $0x0  }
0x36d: {  	[sflag:s0] =	ssyncadd.s32 @!p0 s1  }
0x36e: {  	[bflag:$0x3] =	sbarrier.arrive $0xFFFF  }
0x36f: {  	_ =	shalt  }

</sc_bundles>
